<compile_context>
chip_gen: v7x
topology: tpu7x:2x2x1
jax: 0.10.2.dev20260603
libtpu: 0.0.44.dev20260713+nightly
codegen_flags: <defaults>
</compile_context>

<pallas_src>
import functools

import jax
import jax.numpy as jnp
from jax import lax
from jax.experimental import pallas as pl
from jax.experimental.pallas import tpu as pltpu
from jax.experimental.pallas import tpu_sc as plsc

N_ROWS = 128
ROW = 32768
L = 16
NVEC = ROW // L
NUM_CORES = 2
NUM_SUBCORES = 16
WORKERS = NUM_CORES * NUM_SUBCORES
ROWS_PER_W = N_ROWS // WORKERS


def _clear(hist, nvec, unroll=16):
    zeros = jnp.zeros((L,), jnp.int32)

    @plsc.parallel_loop(0, nvec, unroll=unroll)
    def _(i):
        hist[pl.ds(i * L, L)] = zeros


def _excl_prefix(hist, nvec, unroll=8):
    @plsc.parallel_loop(0, nvec, unroll=unroll, carry=jnp.int32(0))
    def _(i, carry):
        h = hist[pl.ds(i * L, L)]
        inc = plsc.cumsum(h)
        hist[pl.ds(i * L, L)] = inc - h + carry
        return carry + jnp.sum(h)


def _scatter_pass(src_load, digit_fn, payload_fn, store_fn, hist, ones,
                  unroll=4):

    def stage(i):
        x = src_load(i)
        d = digit_fn(x)
        cnt, _ = plsc.scan_count(d)
        return d, cnt, payload_fn(x, i)

    def commit(d, cnt, p):
        pos = plsc.load_gather(hist, [d]) + cnt - 1
        store_fn(pos, p)
        plsc.addupdate_scatter(hist, [d], ones)

    def body(i, carry):
        nxt = stage(i + 1)
        commit(*carry)
        return nxt

    last = lax.fori_loop(0, NVEC - 1, body, stage(0), unroll=unroll)
    commit(*last)


def _sc_body(in_hbm, out_hbm, buf_a, buf_b, hist1, hist2, hist3):
    cid = lax.axis_index("c")
    sid = lax.axis_index("s")
    wid = sid * NUM_CORES + cid
    lane = lax.iota(jnp.int32, L)
    ones = jnp.ones((L,), jnp.int32)

    def do_row(j, c0):
        r = wid * ROWS_PER_W + j
        pltpu.sync_copy(in_hbm.at[r], buf_a)

        _clear(hist1, NVEC)
        _clear(hist2, 512 // L)
        _clear(hist3, 256 // L)

        def hall(i, c):
            v = buf_a[pl.ds(i * L, L)]
            u = plsc.bitcast(v, jnp.int32)
            m = lax.shift_right_arithmetic(u, 31)
            k = u ^ ((m ^ jnp.int32(-1)) & jnp.int32(0x7FFFFFFF))
            buf_a[pl.ds(i * L, L)] = plsc.bitcast(k, jnp.float32)
            plsc.addupdate_scatter(hist1, [k & jnp.int32(0x7FFF)], ones)
            plsc.addupdate_scatter(
                hist2, [lax.shift_right_logical(k, 15) & jnp.int32(0x1FF)],
                ones)
            plsc.addupdate_scatter(
                hist3, [lax.shift_right_logical(k, 24) & jnp.int32(0xFF)],
                ones)
            return c

        plsc.parallel_loop(0, NVEC, unroll=4)(
            lambda i: hall(i, 0) and None)

        _excl_prefix(hist1, NVEC)
        _excl_prefix(hist2, 512 // L)
        _excl_prefix(hist3, 256 // L)

        _scatter_pass(
            src_load=lambda i: plsc.bitcast(buf_a[pl.ds(i * L, L)], jnp.int32),
            digit_fn=lambda k: k & jnp.int32(0x7FFF),
            payload_fn=lambda k, i: (k & jnp.int32(-32768)) | (i * L + lane),
            store_fn=lambda pos, p: plsc.store_scatter(buf_b, [pos], p),
            hist=hist1, ones=ones)

        _scatter_pass(
            src_load=lambda i: buf_b[pl.ds(i * L, L)],
            digit_fn=lambda p: lax.shift_right_logical(p, 15)
            & jnp.int32(0x1FF),
            payload_fn=lambda p, i: p,
            store_fn=lambda pos, p: plsc.store_scatter(
                buf_a, [pos], plsc.bitcast(p, jnp.float32)),
            hist=hist2, ones=ones)

        _scatter_pass(
            src_load=lambda i: plsc.bitcast(buf_a[pl.ds(i * L, L)], jnp.int32),
            digit_fn=lambda p: lax.shift_right_logical(p, 24)
            & jnp.int32(0xFF),
            payload_fn=lambda p, i: p & jnp.int32(0x7FFF),
            store_fn=lambda pos, p: plsc.store_scatter(buf_b, [pos], p),
            hist=hist3, ones=ones)

        pltpu.sync_copy(buf_b, out_hbm.at[r])
        return c0

    lax.fori_loop(0, ROWS_PER_W, do_row, 0)


_argsort_desc = functools.partial(
    pl.kernel,
    out_type=jax.ShapeDtypeStruct((N_ROWS, ROW), jnp.int32),
    mesh=plsc.VectorSubcoreMesh(core_axis_name="c", subcore_axis_name="s"),
    scratch_types=[
        pltpu.VMEM((ROW,), jnp.float32),
        pltpu.VMEM((ROW,), jnp.int32),
        pltpu.VMEM((ROW,), jnp.int32),
        pltpu.VMEM((512,), jnp.int32),
        pltpu.VMEM((256,), jnp.int32),
    ],
    compiler_params=pltpu.CompilerParams(needs_layout_passes=False),
)(_sc_body)


@jax.jit
def kernel(inputs):
    return _argsort_desc(inputs)

# --- scband reference (transcript-rebuilt; emitter-appended) ---
"""Pipeline reference for scband-context-embedding-34428457845504 (READ-ONLY COPY).

The authoritative reference and input builder live on the scoring server;
editing this copy changes nothing except your own understanding.
"""

import jax, jax.numpy as jnp
import numpy as np

MASK_ZERO = False

def setup_inputs(seed: int = 0) -> dict:
    key = jax.random.key(seed)
    inputs = jax.random.normal(key, (128, 32768), dtype=jnp.float32)
    return {"inputs": inputs}

def reference(inputs):
    # Faithful translation of ContextEmbedding.call:
    #   k = inputs.shape[-1]; out, id_out = tf.math.top_k(inputs, k=k, sorted=False)
    #   if mask_zero: id_out += 1; cast to int32
    k = inputs.shape[-1]
    _, id_out = jax.lax.top_k(inputs, k)
    if MASK_ZERO:
        id_out = id_out + 1
    id_out = id_out.astype(jnp.int32)
    return id_out

if __name__ == "__main__":
    import jax
    _d = setup_inputs()
    print(jax.jit(kernel)(*tuple(_d.values())))

</pallas_src>

<mosaic_0001>
#map = affine_map<(d0, d1) -> (0, 0)>
module attributes {stable_mosaic.version = 14 : i64} {
  func.func @_sc_body(%arg0: i32, %arg1: i32, %arg2: memref<128x32768xf32, #tpu.memory_space<hbm>>, %arg3: memref<128x32768xi32, #tpu.memory_space<hbm>>, %arg4: memref<32768xf32, #tpu.memory_space<vmem>>, %arg5: memref<32768xi32, #tpu.memory_space<vmem>>, %arg6: memref<32768xi32, #tpu.memory_space<vmem>>, %arg7: memref<512xi32, #tpu.memory_space<vmem>>, %arg8: memref<256xi32, #tpu.memory_space<vmem>>) attributes {dimension_semantics = [#tpu.dimension_semantics<core_parallel>, #tpu.dimension_semantics<subcore_parallel>], iteration_bounds = array<i64: 2, 16>, scalar_prefetch = 0 : i64, scratch_operands = 5 : i64, tpu.core_type = #tpu.core_type<sc_vector_subcore>, window_params = [{transform_indices = #map}, {transform_indices = #map}]} {
    %mul3A = arith.constant 2 : i32
    %mul3A_0 = arith.muli %arg1, %mul3A : i32
    %add3A = arith.addi %mul3A_0, %arg0 : i32
    %iota3A = tpu.iota {dimensions = array<i32: 0>} : vector<16xi32>
    %broadcast_in_dim3A = arith.constant 1 : i32
    %broadcast_in_dim3A_1 = vector.broadcast %broadcast_in_dim3A : i32 to vector<16xi32>
    %scan3A = arith.constant 0 : i32
    %scan3A_2 = arith.constant 0 : i32
    %scan3A_3 = arith.constant 4 : i32
    %scan3A_4 = arith.addi %scan3A_2, %scan3A_3 : i32
    %scan3A_5 = arith.constant 1 : i32
    scf.for %scan3A_7 = %scan3A_2 to %scan3A_4 step %scan3A_5  : i32 {
      %mul3A_8 = arith.constant 4 : i32
      %mul3A_9 = arith.muli %add3A, %mul3A_8 : i32
      %add3A_10 = arith.addi %mul3A_9, %scan3A_7 : i32
      "tpu.region"() ({
        %run_scoped3A = tpu.sem_alloc : memref<!tpu.dma_semaphore, #tpu.memory_space<semaphore_mem>>
        %dma_start3A = arith.constant 0 : i32
        %dma_start3A_354 = tpu.memref_slice %arg2[%add3A_10, %dma_start3A] : memref<128x32768xf32, #tpu.memory_space<hbm>> -> memref<1x32768xf32, #tpu.memory_space<hbm>>
        %dma_start3A_355 = tpu.memref_squeeze %dma_start3A_354 : memref<1x32768xf32, #tpu.memory_space<hbm>> -> memref<32768xf32, #tpu.memory_space<hbm>>
        %dma_start3A_356 = arith.constant 0 : i32
        %dma_start3A_357 = tpu.memref_slice %arg2[%add3A_10, %dma_start3A_356] : memref<128x32768xf32, #tpu.memory_space<hbm>> -> memref<1x32768xf32, #tpu.memory_space<hbm>>
        %dma_start3A_358 = tpu.memref_squeeze %dma_start3A_357 : memref<1x32768xf32, #tpu.memory_space<hbm>> -> memref<32768xf32, #tpu.memory_space<hbm>>
        tpu.enqueue_dma source(%dma_start3A_358 : memref<32768xf32, #tpu.memory_space<hbm>>) target(%arg4 : memref<32768xf32, #tpu.memory_space<vmem>>) target_semaphore(%run_scoped3A : memref<!tpu.dma_semaphore, #tpu.memory_space<semaphore_mem>>)
        %dma_wait3A = arith.constant 0 : i32
        %dma_wait3A_359 = tpu.memref_slice %arg2[%add3A_10, %dma_wait3A] : memref<128x32768xf32, #tpu.memory_space<hbm>> -> memref<1x32768xf32, #tpu.memory_space<hbm>>
        %dma_wait3A_360 = tpu.memref_squeeze %dma_wait3A_359 : memref<1x32768xf32, #tpu.memory_space<hbm>> -> memref<32768xf32, #tpu.memory_space<hbm>>
        %dma_wait3A_361 = arith.constant 0 : i32
        %dma_wait3A_362 = tpu.memref_slice %arg2[%add3A_10, %dma_wait3A_361] : memref<128x32768xf32, #tpu.memory_space<hbm>> -> memref<1x32768xf32, #tpu.memory_space<hbm>>
        %dma_wait3A_363 = tpu.memref_squeeze %dma_wait3A_362 : memref<1x32768xf32, #tpu.memory_space<hbm>> -> memref<32768xf32, #tpu.memory_space<hbm>>
        tpu.wait_dma2 semaphore(%run_scoped3A : memref<!tpu.dma_semaphore, #tpu.memory_space<semaphore_mem>>) src(%dma_wait3A_363 : memref<32768xf32, #tpu.memory_space<hbm>>) dst(%arg4 : memref<32768xf32, #tpu.memory_space<vmem>>)
        tpu.yield
      }) : () -> ()
      %broadcast_in_dim3A_11 = arith.constant 0 : i32
      %broadcast_in_dim3A_12 = vector.broadcast %broadcast_in_dim3A_11 : i32 to vector<16xi32>
      %parallel_loop3A = arith.constant 0 : i32
      %parallel_loop3A_13 = arith.constant 2048 : i32
      %parallel_loop3A_14 = arith.constant 1 : i32
      scf.for %parallel_loop3A_354 = %parallel_loop3A to %parallel_loop3A_13 step %parallel_loop3A_14  : i32 {
        %parallel_loop3A_355 = arith.constant 16 : i32
        %parallel_loop3A_356 = arith.muli %parallel_loop3A_354, %parallel_loop3A_355 : i32
        %parallel_loop3A_357 = arith.index_cast %parallel_loop3A_356 : i32 to index
        %parallel_loop3A_358 = tpu.vector_load %arg6[%parallel_loop3A_357] {strides = array<i32>} : memref<32768xi32, #tpu.memory_space<vmem>>, vector<16xi32>,
        tpu.vector_store %arg6[%parallel_loop3A_357], %broadcast_in_dim3A_12 {strides = array<i32>} : memref<32768xi32, #tpu.memory_space<vmem>>, vector<16xi32>,
      } {sc.loop_unroll_factor = 16 : i64, sc.parallel_access}
      %broadcast_in_dim3A_15 = arith.constant 0 : i32
      %broadcast_in_dim3A_16 = vector.broadcast %broadcast_in_dim3A_15 : i32 to vector<16xi32>
      %parallel_loop3A_17 = arith.constant 0 : i32
      %parallel_loop3A_18 = arith.constant 32 : i32
      %parallel_loop3A_19 = arith.constant 1 : i32
      scf.for %parallel_loop3A_354 = %parallel_loop3A_17 to %parallel_loop3A_18 step %parallel_loop3A_19  : i32 {
        %parallel_loop3A_355 = arith.constant 16 : i32
        %parallel_loop3A_356 = arith.muli %parallel_loop3A_354, %parallel_loop3A_355 : i32
        %parallel_loop3A_357 = arith.index_cast %parallel_loop3A_356 : i32 to index
        %parallel_loop3A_358 = tpu.vector_load %arg7[%parallel_loop3A_357] {strides = array<i32>} : memref<512xi32, #tpu.memory_space<vmem>>, vector<16xi32>,
        tpu.vector_store %arg7[%parallel_loop3A_357], %broadcast_in_dim3A_16 {strides = array<i32>} : memref<512xi32, #tpu.memory_space<vmem>>, vector<16xi32>,
      } {sc.loop_unroll_factor = 16 : i64, sc.parallel_access}
      %broadcast_in_dim3A_20 = arith.constant 0 : i32
      %broadcast_in_dim3A_21 = vector.broadcast %broadcast_in_dim3A_20 : i32 to vector<16xi32>
      %parallel_loop3A_22 = arith.constant 0 : i32
      %parallel_loop3A_23 = arith.constant 16 : i32
      %parallel_loop3A_24 = arith.constant 1 : i32
      scf.for %parallel_loop3A_354 = %parallel_loop3A_22 to %parallel_loop3A_23 step %parallel_loop3A_24  : i32 {
        %parallel_loop3A_355 = arith.constant 16 : i32
        %parallel_loop3A_356 = arith.muli %parallel_loop3A_354, %parallel_loop3A_355 : i32
        %parallel_loop3A_357 = arith.index_cast %parallel_loop3A_356 : i32 to index
        %parallel_loop3A_358 = tpu.vector_load %arg8[%parallel_loop3A_357] {strides = array<i32>} : memref<256xi32, #tpu.memory_space<vmem>>, vector<16xi32>,
        tpu.vector_store %arg8[%parallel_loop3A_357], %broadcast_in_dim3A_21 {strides = array<i32>} : memref<256xi32, #tpu.memory_space<vmem>>, vector<16xi32>,
      } {sc.loop_unroll_factor = 16 : i64, sc.parallel_access}
      %parallel_loop3A_25 = arith.constant 0 : i32
      %parallel_loop3A_26 = arith.constant 2048 : i32
      %parallel_loop3A_27 = arith.constant 1 : i32
      scf.for %parallel_loop3A_354 = %parallel_loop3A_25 to %parallel_loop3A_26 step %parallel_loop3A_27  : i32 {
        %parallel_loop3A_355 = arith.constant 16 : i32
        %parallel_loop3A_356 = arith.muli %parallel_loop3A_354, %parallel_loop3A_355 : i32
        %parallel_loop3A_357 = arith.index_cast %parallel_loop3A_356 : i32 to index
        %parallel_loop3A_358 = tpu.vector_load %arg4[%parallel_loop3A_357] {strides = array<i32>} : memref<32768xf32, #tpu.memory_space<vmem>>, vector<16xf32>,
        %parallel_loop3A_359 = vector.bitcast %parallel_loop3A_358 : vector<16xf32> to vector<16xi32>
        %parallel_loop3A_360 = arith.constant 31 : i32
        %parallel_loop3A_361 = vector.broadcast %parallel_loop3A_360 : i32 to vector<16xi32>
        %parallel_loop3A_362 = arith.shrsi %parallel_loop3A_359, %parallel_loop3A_361 : vector<16xi32>
        %parallel_loop3A_363 = arith.constant -1 : i32
        %parallel_loop3A_364 = vector.broadcast %parallel_loop3A_363 : i32 to vector<16xi32>
        %parallel_loop3A_365 = arith.xori %parallel_loop3A_362, %parallel_loop3A_364 : vector<16xi32>
        %parallel_loop3A_366 = arith.constant 2147483647 : i32
        %parallel_loop3A_367 = vector.broadcast %parallel_loop3A_366 : i32 to vector<16xi32>
        %parallel_loop3A_368 = arith.andi %parallel_loop3A_365, %parallel_loop3A_367 : vector<16xi32>
        %parallel_loop3A_369 = arith.xori %parallel_loop3A_359, %parallel_loop3A_368 : vector<16xi32>
        %parallel_loop3A_370 = vector.bitcast %parallel_loop3A_369 : vector<16xi32> to vector<16xf32>
        %parallel_loop3A_371 = arith.constant 16 : i32
        %parallel_loop3A_372 = arith.muli %parallel_loop3A_354, %parallel_loop3A_371 : i32
        %parallel_loop3A_373 = arith.index_cast %parallel_loop3A_372 : i32 to index
        %parallel_loop3A_374 = tpu.vector_load %arg4[%parallel_loop3A_373] {strides = array<i32>} : memref<32768xf32, #tpu.memory_space<vmem>>, vector<16xf32>,
        tpu.vector_store %arg4[%parallel_loop3A_373], %parallel_loop3A_370 {strides = array<i32>} : memref<32768xf32, #tpu.memory_space<vmem>>, vector<16xf32>,
        %parallel_loop3A_375 = arith.constant 32767 : i32
        %parallel_loop3A_376 = vector.broadcast %parallel_loop3A_375 : i32 to vector<16xi32>
        %parallel_loop3A_377 = arith.andi %parallel_loop3A_369, %parallel_loop3A_376 : vector<16xi32>
        tpu.vector_store_idx %arg6[%parallel_loop3A_377], %broadcast_in_dim3A_1 {add = true} : memref<32768xi32, #tpu.memory_space<vmem>>[vector<16xi32>], vector<16xi32>,
        %parallel_loop3A_378 = arith.constant 15 : i32
        %parallel_loop3A_379 = vector.broadcast %parallel_loop3A_378 : i32 to vector<16xi32>
        %parallel_loop3A_380 = arith.shrui %parallel_loop3A_369, %parallel_loop3A_379 : vector<16xi32>
        %parallel_loop3A_381 = arith.constant 511 : i32
        %parallel_loop3A_382 = vector.broadcast %parallel_loop3A_381 : i32 to vector<16xi32>
        %parallel_loop3A_383 = arith.andi %parallel_loop3A_380, %parallel_loop3A_382 : vector<16xi32>
        tpu.vector_store_idx %arg7[%parallel_loop3A_383], %broadcast_in_dim3A_1 {add = true} : memref<512xi32, #tpu.memory_space<vmem>>[vector<16xi32>], vector<16xi32>,
        %parallel_loop3A_384 = arith.constant 24 : i32
        %parallel_loop3A_385 = vector.broadcast %parallel_loop3A_384 : i32 to vector<16xi32>
        %parallel_loop3A_386 = arith.shrui %parallel_loop3A_369, %parallel_loop3A_385 : vector<16xi32>
        %parallel_loop3A_387 = arith.constant 255 : i32
        %parallel_loop3A_388 = vector.broadcast %parallel_loop3A_387 : i32 to vector<16xi32>
        %parallel_loop3A_389 = arith.andi %parallel_loop3A_386, %parallel_loop3A_388 : vector<16xi32>
        tpu.vector_store_idx %arg8[%parallel_loop3A_389], %broadcast_in_dim3A_1 {add = true} : memref<256xi32, #tpu.memory_space<vmem>>[vector<16xi32>], vector<16xi32>,
      } {sc.loop_unroll_factor = 4 : i64, sc.parallel_access}
      %parallel_loop3A_28 = arith.constant 0 : i32
      %parallel_loop3A_29 = arith.constant 2048 : i32
      %parallel_loop3A_30 = arith.constant 1 : i32
      %parallel_loop3A_31 = arith.constant 0 : i32
      %parallel_loop3A_32 = scf.for %parallel_loop3A_354 = %parallel_loop3A_28 to %parallel_loop3A_29 step %parallel_loop3A_30 iter_args(%parallel_loop3A_355 = %parallel_loop3A_31) -> (i32)  : i32 {
        %parallel_loop3A_356 = arith.constant 16 : i32
        %parallel_loop3A_357 = arith.muli %parallel_loop3A_354, %parallel_loop3A_356 : i32
        %parallel_loop3A_358 = arith.index_cast %parallel_loop3A_357 : i32 to index
        %parallel_loop3A_359 = tpu.vector_load %arg6[%parallel_loop3A_358] {strides = array<i32>} : memref<32768xi32, #tpu.memory_space<vmem>>, vector<16xi32>,
        %parallel_loop3A_360 = arith.constant true
        %parallel_loop3A_361 = vector.broadcast %parallel_loop3A_360 : i1 to vector<16xi1>
        %parallel_loop3A_362 = tpu.scan <sum>, %parallel_loop3A_359 masked %parallel_loop3A_361 : vector<16xi32>, vector<16xi1> -> vector<16xi32>
        %parallel_loop3A_363 = arith.subi %parallel_loop3A_362, %parallel_loop3A_359 : vector<16xi32>
        %parallel_loop3A_364 = vector.broadcast %parallel_loop3A_355 : i32 to vector<16xi32>
        %parallel_loop3A_365 = arith.addi %parallel_loop3A_363, %parallel_loop3A_364 : vector<16xi32>
        %parallel_loop3A_366 = arith.constant 16 : i32
        %parallel_loop3A_367 = arith.muli %parallel_loop3A_354, %parallel_loop3A_366 : i32
        %parallel_loop3A_368 = arith.index_cast %parallel_loop3A_367 : i32 to index
        %parallel_loop3A_369 = tpu.vector_load %arg6[%parallel_loop3A_368] {strides = array<i32>} : memref<32768xi32, #tpu.memory_space<vmem>>, vector<16xi32>,
        tpu.vector_store %arg6[%parallel_loop3A_368], %parallel_loop3A_365 {strides = array<i32>} : memref<32768xi32, #tpu.memory_space<vmem>>, vector<16xi32>,
        %parallel_loop3A_370 = arith.constant true
        %parallel_loop3A_371 = vector.broadcast %parallel_loop3A_370 : i1 to vector<16xi1>
        %parallel_loop3A_372 = tpu.scan <sum>, %parallel_loop3A_359 masked %parallel_loop3A_371 : vector<16xi32>, vector<16xi1> -> vector<16xi32>
        %parallel_loop3A_373 = vector.extract %parallel_loop3A_372[15] : i32 from vector<16xi32>
        %parallel_loop3A_374 = arith.addi %parallel_loop3A_355, %parallel_loop3A_373 : i32
        scf.yield %parallel_loop3A_374 : i32
      } {sc.loop_unroll_factor = 8 : i64, sc.parallel_access}
      %parallel_loop3A_33 = arith.constant 0 : i32
      %parallel_loop3A_34 = arith.constant 32 : i32
      %parallel_loop3A_35 = arith.constant 1 : i32
      %parallel_loop3A_36 = arith.constant 0 : i32
      %parallel_loop3A_37 = scf.for %parallel_loop3A_354 = %parallel_loop3A_33 to %parallel_loop3A_34 step %parallel_loop3A_35 iter_args(%parallel_loop3A_355 = %parallel_loop3A_36) -> (i32)  : i32 {
        %parallel_loop3A_356 = arith.constant 16 : i32
        %parallel_loop3A_357 = arith.muli %parallel_loop3A_354, %parallel_loop3A_356 : i32
        %parallel_loop3A_358 = arith.index_cast %parallel_loop3A_357 : i32 to index
        %parallel_loop3A_359 = tpu.vector_load %arg7[%parallel_loop3A_358] {strides = array<i32>} : memref<512xi32, #tpu.memory_space<vmem>>, vector<16xi32>,
        %parallel_loop3A_360 = arith.constant true
        %parallel_loop3A_361 = vector.broadcast %parallel_loop3A_360 : i1 to vector<16xi1>
        %parallel_loop3A_362 = tpu.scan <sum>, %parallel_loop3A_359 masked %parallel_loop3A_361 : vector<16xi32>, vector<16xi1> -> vector<16xi32>
        %parallel_loop3A_363 = arith.subi %parallel_loop3A_362, %parallel_loop3A_359 : vector<16xi32>
        %parallel_loop3A_364 = vector.broadcast %parallel_loop3A_355 : i32 to vector<16xi32>
        %parallel_loop3A_365 = arith.addi %parallel_loop3A_363, %parallel_loop3A_364 : vector<16xi32>
        %parallel_loop3A_366 = arith.constant 16 : i32
        %parallel_loop3A_367 = arith.muli %parallel_loop3A_354, %parallel_loop3A_366 : i32
        %parallel_loop3A_368 = arith.index_cast %parallel_loop3A_367 : i32 to index
        %parallel_loop3A_369 = tpu.vector_load %arg7[%parallel_loop3A_368] {strides = array<i32>} : memref<512xi32, #tpu.memory_space<vmem>>, vector<16xi32>,
        tpu.vector_store %arg7[%parallel_loop3A_368], %parallel_loop3A_365 {strides = array<i32>} : memref<512xi32, #tpu.memory_space<vmem>>, vector<16xi32>,
        %parallel_loop3A_370 = arith.constant true
        %parallel_loop3A_371 = vector.broadcast %parallel_loop3A_370 : i1 to vector<16xi1>
        %parallel_loop3A_372 = tpu.scan <sum>, %parallel_loop3A_359 masked %parallel_loop3A_371 : vector<16xi32>, vector<16xi1> -> vector<16xi32>
        %parallel_loop3A_373 = vector.extract %parallel_loop3A_372[15] : i32 from vector<16xi32>
        %parallel_loop3A_374 = arith.addi %parallel_loop3A_355, %parallel_loop3A_373 : i32
        scf.yield %parallel_loop3A_374 : i32
      } {sc.loop_unroll_factor = 8 : i64, sc.parallel_access}
      %parallel_loop3A_38 = arith.constant 0 : i32
      %parallel_loop3A_39 = arith.constant 16 : i32
      %parallel_loop3A_40 = arith.constant 1 : i32
      %parallel_loop3A_41 = arith.constant 0 : i32
      %parallel_loop3A_42 = scf.for %parallel_loop3A_354 = %parallel_loop3A_38 to %parallel_loop3A_39 step %parallel_loop3A_40 iter_args(%parallel_loop3A_355 = %parallel_loop3A_41) -> (i32)  : i32 {
        %parallel_loop3A_356 = arith.constant 16 : i32
        %parallel_loop3A_357 = arith.muli %parallel_loop3A_354, %parallel_loop3A_356 : i32
        %parallel_loop3A_358 = arith.index_cast %parallel_loop3A_357 : i32 to index
        %parallel_loop3A_359 = tpu.vector_load %arg8[%parallel_loop3A_358] {strides = array<i32>} : memref<256xi32, #tpu.memory_space<vmem>>, vector<16xi32>,
        %parallel_loop3A_360 = arith.constant true
        %parallel_loop3A_361 = vector.broadcast %parallel_loop3A_360 : i1 to vector<16xi1>
        %parallel_loop3A_362 = tpu.scan <sum>, %parallel_loop3A_359 masked %parallel_loop3A_361 : vector<16xi32>, vector<16xi1> -> vector<16xi32>
        %parallel_loop3A_363 = arith.subi %parallel_loop3A_362, %parallel_loop3A_359 : vector<16xi32>
        %parallel_loop3A_364 = vector.broadcast %parallel_loop3A_355 : i32 to vector<16xi32>
        %parallel_loop3A_365 = arith.addi %parallel_loop3A_363, %parallel_loop3A_364 : vector<16xi32>
        %parallel_loop3A_366 = arith.constant 16 : i32
        %parallel_loop3A_367 = arith.muli %parallel_loop3A_354, %parallel_loop3A_366 : i32
        %parallel_loop3A_368 = arith.index_cast %parallel_loop3A_367 : i32 to index
        %parallel_loop3A_369 = tpu.vector_load %arg8[%parallel_loop3A_368] {strides = array<i32>} : memref<256xi32, #tpu.memory_space<vmem>>, vector<16xi32>,
        tpu.vector_store %arg8[%parallel_loop3A_368], %parallel_loop3A_365 {strides = array<i32>} : memref<256xi32, #tpu.memory_space<vmem>>, vector<16xi32>,
        %parallel_loop3A_370 = arith.constant true
        %parallel_loop3A_371 = vector.broadcast %parallel_loop3A_370 : i1 to vector<16xi1>
        %parallel_loop3A_372 = tpu.scan <sum>, %parallel_loop3A_359 masked %parallel_loop3A_371 : vector<16xi32>, vector<16xi1> -> vector<16xi32>
        %parallel_loop3A_373 = vector.extract %parallel_loop3A_372[15] : i32 from vector<16xi32>
        %parallel_loop3A_374 = arith.addi %parallel_loop3A_355, %parallel_loop3A_373 : i32
        scf.yield %parallel_loop3A_374 : i32
      } {sc.loop_unroll_factor = 8 : i64, sc.parallel_access}
      %get3A = arith.constant 0 : index
      %get3A_43 = tpu.vector_load %arg4[%get3A] {strides = array<i32>} : memref<32768xf32, #tpu.memory_space<vmem>>, vector<16xf32>,
      %bitcast3A = vector.bitcast %get3A_43 : vector<16xf32> to vector<16xi32>
      %and3A = arith.constant 32767 : i32
      %and3A_44 = vector.broadcast %and3A : i32 to vector<16xi32>
      %and3A_45 = arith.andi %bitcast3A, %and3A_44 : vector<16xi32>
      %broadcast_in_dim3A_46 = arith.constant true
      %broadcast_in_dim3A_47 = vector.broadcast %broadcast_in_dim3A_46 : i1 to vector<16xi1>
      %unique3A, %unique3A_48 = tpu.scan_count mask(%broadcast_in_dim3A_47 : vector<16xi1>) value(%and3A_45 : vector<16xi32>) : vector<16xi1>, vector<16xi32>
      %and3A_49 = arith.constant -32768 : i32
      %and3A_50 = vector.broadcast %and3A_49 : i32 to vector<16xi32>
      %and3A_51 = arith.andi %bitcast3A, %and3A_50 : vector<16xi32>
      %add3A_52 = arith.constant 0 : i32
      %add3A_53 = vector.broadcast %add3A_52 : i32 to vector<16xi32>
      %add3A_54 = arith.addi %add3A_53, %iota3A : vector<16xi32>
      %or3A = arith.ori %and3A_51, %add3A_54 : vector<16xi32>
      %scan3A_55 = arith.constant 0 : i32
      %scan3A_56 = arith.constant 2044 : i32
      %scan3A_57 = arith.addi %scan3A_55, %scan3A_56 : i32
      %scan3A_58 = arith.constant 4 : i32
      %scan3A_59:3 = scf.for %scan3A_354 = %scan3A_55 to %scan3A_57 step %scan3A_58 iter_args(%scan3A_355 = %and3A_45, %scan3A_356 = %unique3A_48, %scan3A_357 = %or3A) -> (vector<16xi32>, vector<16xi32>, vector<16xi32>)  : i32 {
        %add3A_358 = arith.constant 1 : i32
        %add3A_359 = arith.addi %scan3A_354, %add3A_358 : i32
        %mul3A_360 = arith.constant 16 : i32
        %mul3A_361 = arith.muli %add3A_359, %mul3A_360 : i32
        %get3A_362 = arith.index_cast %mul3A_361 : i32 to index
        %get3A_363 = tpu.vector_load %arg4[%get3A_362] {strides = array<i32>} : memref<32768xf32, #tpu.memory_space<vmem>>, vector<16xf32>,
        %bitcast3A_364 = vector.bitcast %get3A_363 : vector<16xf32> to vector<16xi32>
        %and3A_365 = arith.constant 32767 : i32
        %and3A_366 = vector.broadcast %and3A_365 : i32 to vector<16xi32>
        %and3A_367 = arith.andi %bitcast3A_364, %and3A_366 : vector<16xi32>
        %broadcast_in_dim3A_368 = arith.constant true
        %broadcast_in_dim3A_369 = vector.broadcast %broadcast_in_dim3A_368 : i1 to vector<16xi1>
        %unique3A_370, %unique3A_371 = tpu.scan_count mask(%broadcast_in_dim3A_369 : vector<16xi1>) value(%and3A_367 : vector<16xi32>) : vector<16xi1>, vector<16xi32>
        %and3A_372 = arith.constant -32768 : i32
        %and3A_373 = vector.broadcast %and3A_372 : i32 to vector<16xi32>
        %and3A_374 = arith.andi %bitcast3A_364, %and3A_373 : vector<16xi32>
        %mul3A_375 = arith.constant 16 : i32
        %mul3A_376 = arith.muli %add3A_359, %mul3A_375 : i32
        %add3A_377 = vector.broadcast %mul3A_376 : i32 to vector<16xi32>
        %add3A_378 = arith.addi %add3A_377, %iota3A : vector<16xi32>
        %or3A_379 = arith.ori %and3A_374, %add3A_378 : vector<16xi32>
        %gather3A_380 = tpu.vector_load_idx %arg6[%scan3A_355] : memref<32768xi32, #tpu.memory_space<vmem>>[vector<16xi32>], vector<16xi32>,
        %add3A_381 = arith.addi %gather3A_380, %scan3A_356 : vector<16xi32>
        %sub3A_382 = arith.constant 1 : i32
        %sub3A_383 = vector.broadcast %sub3A_382 : i32 to vector<16xi32>
        %sub3A_384 = arith.subi %add3A_381, %sub3A_383 : vector<16xi32>
        tpu.vector_store_idx %arg5[%sub3A_384], %scan3A_357 : memref<32768xi32, #tpu.memory_space<vmem>>[vector<16xi32>], vector<16xi32>,
        tpu.vector_store_idx %arg6[%scan3A_355], %broadcast_in_dim3A_1 {add = true} : memref<32768xi32, #tpu.memory_space<vmem>>[vector<16xi32>], vector<16xi32>,
        %scan3A_385 = arith.constant 1 : i32
        %scan3A_386 = arith.addi %scan3A_354, %scan3A_385 : i32
        %add3A_387 = arith.constant 1 : i32
        %add3A_388 = arith.addi %scan3A_386, %add3A_387 : i32
        %mul3A_389 = arith.constant 16 : i32
        %mul3A_390 = arith.muli %add3A_388, %mul3A_389 : i32
        %get3A_391 = arith.index_cast %mul3A_390 : i32 to index
        %get3A_392 = tpu.vector_load %arg4[%get3A_391] {strides = array<i32>} : memref<32768xf32, #tpu.memory_space<vmem>>, vector<16xf32>,
        %bitcast3A_393 = vector.bitcast %get3A_392 : vector<16xf32> to vector<16xi32>
        %and3A_394 = arith.constant 32767 : i32
        %and3A_395 = vector.broadcast %and3A_394 : i32 to vector<16xi32>
        %and3A_396 = arith.andi %bitcast3A_393, %and3A_395 : vector<16xi32>
        %broadcast_in_dim3A_397 = arith.constant true
        %broadcast_in_dim3A_398 = vector.broadcast %broadcast_in_dim3A_397 : i1 to vector<16xi1>
        %unique3A_399, %unique3A_400 = tpu.scan_count mask(%broadcast_in_dim3A_398 : vector<16xi1>) value(%and3A_396 : vector<16xi32>) : vector<16xi1>, vector<16xi32>
        %and3A_401 = arith.constant -32768 : i32
        %and3A_402 = vector.broadcast %and3A_401 : i32 to vector<16xi32>
        %and3A_403 = arith.andi %bitcast3A_393, %and3A_402 : vector<16xi32>
        %mul3A_404 = arith.constant 16 : i32
        %mul3A_405 = arith.muli %add3A_388, %mul3A_404 : i32
        %add3A_406 = vector.broadcast %mul3A_405 : i32 to vector<16xi32>
        %add3A_407 = arith.addi %add3A_406, %iota3A : vector<16xi32>
        %or3A_408 = arith.ori %and3A_403, %add3A_407 : vector<16xi32>
        %gather3A_409 = tpu.vector_load_idx %arg6[%and3A_367] : memref<32768xi32, #tpu.memory_space<vmem>>[vector<16xi32>], vector<16xi32>,
        %add3A_410 = arith.addi %gather3A_409, %unique3A_371 : vector<16xi32>
        %sub3A_411 = arith.constant 1 : i32
        %sub3A_412 = vector.broadcast %sub3A_411 : i32 to vector<16xi32>
        %sub3A_413 = arith.subi %add3A_410, %sub3A_412 : vector<16xi32>
        tpu.vector_store_idx %arg5[%sub3A_413], %or3A_379 : memref<32768xi32, #tpu.memory_space<vmem>>[vector<16xi32>], vector<16xi32>,
        tpu.vector_store_idx %arg6[%and3A_367], %broadcast_in_dim3A_1 {add = true} : memref<32768xi32, #tpu.memory_space<vmem>>[vector<16xi32>], vector<16xi32>,
        %scan3A_414 = arith.constant 2 : i32
        %scan3A_415 = arith.addi %scan3A_354, %scan3A_414 : i32
        %add3A_416 = arith.constant 1 : i32
        %add3A_417 = arith.addi %scan3A_415, %add3A_416 : i32
        %mul3A_418 = arith.constant 16 : i32
        %mul3A_419 = arith.muli %add3A_417, %mul3A_418 : i32
        %get3A_420 = arith.index_cast %mul3A_419 : i32 to index
        %get3A_421 = tpu.vector_load %arg4[%get3A_420] {strides = array<i32>} : memref<32768xf32, #tpu.memory_space<vmem>>, vector<16xf32>,
        %bitcast3A_422 = vector.bitcast %get3A_421 : vector<16xf32> to vector<16xi32>
        %and3A_423 = arith.constant 32767 : i32
        %and3A_424 = vector.broadcast %and3A_423 : i32 to vector<16xi32>
        %and3A_425 = arith.andi %bitcast3A_422, %and3A_424 : vector<16xi32>
        %broadcast_in_dim3A_426 = arith.constant true
        %broadcast_in_dim3A_427 = vector.broadcast %broadcast_in_dim3A_426 : i1 to vector<16xi1>
        %unique3A_428, %unique3A_429 = tpu.scan_count mask(%broadcast_in_dim3A_427 : vector<16xi1>) value(%and3A_425 : vector<16xi32>) : vector<16xi1>, vector<16xi32>
        %and3A_430 = arith.constant -32768 : i32
        %and3A_431 = vector.broadcast %and3A_430 : i32 to vector<16xi32>
        %and3A_432 = arith.andi %bitcast3A_422, %and3A_431 : vector<16xi32>
        %mul3A_433 = arith.constant 16 : i32
        %mul3A_434 = arith.muli %add3A_417, %mul3A_433 : i32
        %add3A_435 = vector.broadcast %mul3A_434 : i32 to vector<16xi32>
        %add3A_436 = arith.addi %add3A_435, %iota3A : vector<16xi32>
        %or3A_437 = arith.ori %and3A_432, %add3A_436 : vector<16xi32>
        %gather3A_438 = tpu.vector_load_idx %arg6[%and3A_396] : memref<32768xi32, #tpu.memory_space<vmem>>[vector<16xi32>], vector<16xi32>,
        %add3A_439 = arith.addi %gather3A_438, %unique3A_400 : vector<16xi32>
        %sub3A_440 = arith.constant 1 : i32
        %sub3A_441 = vector.broadcast %sub3A_440 : i32 to vector<16xi32>
        %sub3A_442 = arith.subi %add3A_439, %sub3A_441 : vector<16xi32>
        tpu.vector_store_idx %arg5[%sub3A_442], %or3A_408 : memref<32768xi32, #tpu.memory_space<vmem>>[vector<16xi32>], vector<16xi32>,
        tpu.vector_store_idx %arg6[%and3A_396], %broadcast_in_dim3A_1 {add = true} : memref<32768xi32, #tpu.memory_space<vmem>>[vector<16xi32>], vector<16xi32>,
        %scan3A_443 = arith.constant 3 : i32
        %scan3A_444 = arith.addi %scan3A_354, %scan3A_443 : i32
        %add3A_445 = arith.constant 1 : i32
        %add3A_446 = arith.addi %scan3A_444, %add3A_445 : i32
        %mul3A_447 = arith.constant 16 : i32
        %mul3A_448 = arith.muli %add3A_446, %mul3A_447 : i32
        %get3A_449 = arith.index_cast %mul3A_448 : i32 to index
        %get3A_450 = tpu.vector_load %arg4[%get3A_449] {strides = array<i32>} : memref<32768xf32, #tpu.memory_space<vmem>>, vector<16xf32>,
        %bitcast3A_451 = vector.bitcast %get3A_450 : vector<16xf32> to vector<16xi32>
        %and3A_452 = arith.constant 32767 : i32
        %and3A_453 = vector.broadcast %and3A_452 : i32 to vector<16xi32>
        %and3A_454 = arith.andi %bitcast3A_451, %and3A_453 : vector<16xi32>
        %broadcast_in_dim3A_455 = arith.constant true
        %broadcast_in_dim3A_456 = vector.broadcast %broadcast_in_dim3A_455 : i1 to vector<16xi1>
        %unique3A_457, %unique3A_458 = tpu.scan_count mask(%broadcast_in_dim3A_456 : vector<16xi1>) value(%and3A_454 : vector<16xi32>) : vector<16xi1>, vector<16xi32>
        %and3A_459 = arith.constant -32768 : i32
        %and3A_460 = vector.broadcast %and3A_459 : i32 to vector<16xi32>
        %and3A_461 = arith.andi %bitcast3A_451, %and3A_460 : vector<16xi32>
        %mul3A_462 = arith.constant 16 : i32
        %mul3A_463 = arith.muli %add3A_446, %mul3A_462 : i32
        %add3A_464 = vector.broadcast %mul3A_463 : i32 to vector<16xi32>
        %add3A_465 = arith.addi %add3A_464, %iota3A : vector<16xi32>
        %or3A_466 = arith.ori %and3A_461, %add3A_465 : vector<16xi32>
        %gather3A_467 = tpu.vector_load_idx %arg6[%and3A_425] : memref<32768xi32, #tpu.memory_space<vmem>>[vector<16xi32>], vector<16xi32>,
        %add3A_468 = arith.addi %gather3A_467, %unique3A_429 : vector<16xi32>
        %sub3A_469 = arith.constant 1 : i32
        %sub3A_470 = vector.broadcast %sub3A_469 : i32 to vector<16xi32>
        %sub3A_471 = arith.subi %add3A_468, %sub3A_470 : vector<16xi32>
        tpu.vector_store_idx %arg5[%sub3A_471], %or3A_437 : memref<32768xi32, #tpu.memory_space<vmem>>[vector<16xi32>], vector<16xi32>,
        tpu.vector_store_idx %arg6[%and3A_425], %broadcast_in_dim3A_1 {add = true} : memref<32768xi32, #tpu.memory_space<vmem>>[vector<16xi32>], vector<16xi32>,
        scf.yield %and3A_454, %unique3A_458, %or3A_466 : vector<16xi32>, vector<16xi32>, vector<16xi32>
      }
      %scan3A_60 = arith.constant 2044 : i32
      %scan3A_61 = arith.addi %scan3A_55, %scan3A_60 : i32
      %add3A_62 = arith.constant 1 : i32
      %add3A_63 = arith.addi %scan3A_61, %add3A_62 : i32
      %mul3A_64 = arith.constant 16 : i32
      %mul3A_65 = arith.muli %add3A_63, %mul3A_64 : i32
      %get3A_66 = arith.index_cast %mul3A_65 : i32 to index
      %get3A_67 = tpu.vector_load %arg4[%get3A_66] {strides = array<i32>} : memref<32768xf32, #tpu.memory_space<vmem>>, vector<16xf32>,
      %bitcast3A_68 = vector.bitcast %get3A_67 : vector<16xf32> to vector<16xi32>
      %and3A_69 = arith.constant 32767 : i32
      %and3A_70 = vector.broadcast %and3A_69 : i32 to vector<16xi32>
      %and3A_71 = arith.andi %bitcast3A_68, %and3A_70 : vector<16xi32>
      %broadcast_in_dim3A_72 = arith.constant true
      %broadcast_in_dim3A_73 = vector.broadcast %broadcast_in_dim3A_72 : i1 to vector<16xi1>
      %unique3A_74, %unique3A_75 = tpu.scan_count mask(%broadcast_in_dim3A_73 : vector<16xi1>) value(%and3A_71 : vector<16xi32>) : vector<16xi1>, vector<16xi32>
      %and3A_76 = arith.constant -32768 : i32
      %and3A_77 = vector.broadcast %and3A_76 : i32 to vector<16xi32>
      %and3A_78 = arith.andi %bitcast3A_68, %and3A_77 : vector<16xi32>
      %mul3A_79 = arith.constant 16 : i32
      %mul3A_80 = arith.muli %add3A_63, %mul3A_79 : i32
      %add3A_81 = vector.broadcast %mul3A_80 : i32 to vector<16xi32>
      %add3A_82 = arith.addi %add3A_81, %iota3A : vector<16xi32>
      %or3A_83 = arith.ori %and3A_78, %add3A_82 : vector<16xi32>
      %gather3A = tpu.vector_load_idx %arg6[%scan3A_59#0] : memref<32768xi32, #tpu.memory_space<vmem>>[vector<16xi32>], vector<16xi32>,
      %add3A_84 = arith.addi %gather3A, %scan3A_59#1 : vector<16xi32>
      %sub3A = arith.constant 1 : i32
      %sub3A_85 = vector.broadcast %sub3A : i32 to vector<16xi32>
      %sub3A_86 = arith.subi %add3A_84, %sub3A_85 : vector<16xi32>
      tpu.vector_store_idx %arg5[%sub3A_86], %scan3A_59#2 : memref<32768xi32, #tpu.memory_space<vmem>>[vector<16xi32>], vector<16xi32>,
      tpu.vector_store_idx %arg6[%scan3A_59#0], %broadcast_in_dim3A_1 {add = true} : memref<32768xi32, #tpu.memory_space<vmem>>[vector<16xi32>], vector<16xi32>,
      %scan3A_87 = arith.constant 2045 : i32
      %scan3A_88 = arith.addi %scan3A_55, %scan3A_87 : i32
      %add3A_89 = arith.constant 1 : i32
      %add3A_90 = arith.addi %scan3A_88, %add3A_89 : i32
      %mul3A_91 = arith.constant 16 : i32
      %mul3A_92 = arith.muli %add3A_90, %mul3A_91 : i32
      %get3A_93 = arith.index_cast %mul3A_92 : i32 to index
      %get3A_94 = tpu.vector_load %arg4[%get3A_93] {strides = array<i32>} : memref<32768xf32, #tpu.memory_space<vmem>>, vector<16xf32>,
      %bitcast3A_95 = vector.bitcast %get3A_94 : vector<16xf32> to vector<16xi32>
      %and3A_96 = arith.constant 32767 : i32
      %and3A_97 = vector.broadcast %and3A_96 : i32 to vector<16xi32>
      %and3A_98 = arith.andi %bitcast3A_95, %and3A_97 : vector<16xi32>
      %broadcast_in_dim3A_99 = arith.constant true
      %broadcast_in_dim3A_100 = vector.broadcast %broadcast_in_dim3A_99 : i1 to vector<16xi1>
      %unique3A_101, %unique3A_102 = tpu.scan_count mask(%broadcast_in_dim3A_100 : vector<16xi1>) value(%and3A_98 : vector<16xi32>) : vector<16xi1>, vector<16xi32>
      %and3A_103 = arith.constant -32768 : i32
      %and3A_104 = vector.broadcast %and3A_103 : i32 to vector<16xi32>
      %and3A_105 = arith.andi %bitcast3A_95, %and3A_104 : vector<16xi32>
      %mul3A_106 = arith.constant 16 : i32
      %mul3A_107 = arith.muli %add3A_90, %mul3A_106 : i32
      %add3A_108 = vector.broadcast %mul3A_107 : i32 to vector<16xi32>
      %add3A_109 = arith.addi %add3A_108, %iota3A : vector<16xi32>
      %or3A_110 = arith.ori %and3A_105, %add3A_109 : vector<16xi32>
      %gather3A_111 = tpu.vector_load_idx %arg6[%and3A_71] : memref<32768xi32, #tpu.memory_space<vmem>>[vector<16xi32>], vector<16xi32>,
      %add3A_112 = arith.addi %gather3A_111, %unique3A_75 : vector<16xi32>
      %sub3A_113 = arith.constant 1 : i32
      %sub3A_114 = vector.broadcast %sub3A_113 : i32 to vector<16xi32>
      %sub3A_115 = arith.subi %add3A_112, %sub3A_114 : vector<16xi32>
      tpu.vector_store_idx %arg5[%sub3A_115], %or3A_83 : memref<32768xi32, #tpu.memory_space<vmem>>[vector<16xi32>], vector<16xi32>,
      tpu.vector_store_idx %arg6[%and3A_71], %broadcast_in_dim3A_1 {add = true} : memref<32768xi32, #tpu.memory_space<vmem>>[vector<16xi32>], vector<16xi32>,
      %scan3A_116 = arith.constant 2046 : i32
      %scan3A_117 = arith.addi %scan3A_55, %scan3A_116 : i32
      %add3A_118 = arith.constant 1 : i32
      %add3A_119 = arith.addi %scan3A_117, %add3A_118 : i32
      %mul3A_120 = arith.constant 16 : i32
      %mul3A_121 = arith.muli %add3A_119, %mul3A_120 : i32
      %get3A_122 = arith.index_cast %mul3A_121 : i32 to index
      %get3A_123 = tpu.vector_load %arg4[%get3A_122] {strides = array<i32>} : memref<32768xf32, #tpu.memory_space<vmem>>, vector<16xf32>,
      %bitcast3A_124 = vector.bitcast %get3A_123 : vector<16xf32> to vector<16xi32>
      %and3A_125 = arith.constant 32767 : i32
      %and3A_126 = vector.broadcast %and3A_125 : i32 to vector<16xi32>
      %and3A_127 = arith.andi %bitcast3A_124, %and3A_126 : vector<16xi32>
      %broadcast_in_dim3A_128 = arith.constant true
      %broadcast_in_dim3A_129 = vector.broadcast %broadcast_in_dim3A_128 : i1 to vector<16xi1>
      %unique3A_130, %unique3A_131 = tpu.scan_count mask(%broadcast_in_dim3A_129 : vector<16xi1>) value(%and3A_127 : vector<16xi32>) : vector<16xi1>, vector<16xi32>
      %and3A_132 = arith.constant -32768 : i32
      %and3A_133 = vector.broadcast %and3A_132 : i32 to vector<16xi32>
      %and3A_134 = arith.andi %bitcast3A_124, %and3A_133 : vector<16xi32>
      %mul3A_135 = arith.constant 16 : i32
      %mul3A_136 = arith.muli %add3A_119, %mul3A_135 : i32
      %add3A_137 = vector.broadcast %mul3A_136 : i32 to vector<16xi32>
      %add3A_138 = arith.addi %add3A_137, %iota3A : vector<16xi32>
      %or3A_139 = arith.ori %and3A_134, %add3A_138 : vector<16xi32>
      %gather3A_140 = tpu.vector_load_idx %arg6[%and3A_98] : memref<32768xi32, #tpu.memory_space<vmem>>[vector<16xi32>], vector<16xi32>,
      %add3A_141 = arith.addi %gather3A_140, %unique3A_102 : vector<16xi32>
      %sub3A_142 = arith.constant 1 : i32
      %sub3A_143 = vector.broadcast %sub3A_142 : i32 to vector<16xi32>
      %sub3A_144 = arith.subi %add3A_141, %sub3A_143 : vector<16xi32>
      tpu.vector_store_idx %arg5[%sub3A_144], %or3A_110 : memref<32768xi32, #tpu.memory_space<vmem>>[vector<16xi32>], vector<16xi32>,
      tpu.vector_store_idx %arg6[%and3A_98], %broadcast_in_dim3A_1 {add = true} : memref<32768xi32, #tpu.memory_space<vmem>>[vector<16xi32>], vector<16xi32>,
      %scan3A_145 = arith.constant 2047 : i32
      %gather3A_146 = tpu.vector_load_idx %arg6[%and3A_127] : memref<32768xi32, #tpu.memory_space<vmem>>[vector<16xi32>], vector<16xi32>,
      %add3A_147 = arith.addi %gather3A_146, %unique3A_131 : vector<16xi32>
      %sub3A_148 = arith.constant 1 : i32
      %sub3A_149 = vector.broadcast %sub3A_148 : i32 to vector<16xi32>
      %sub3A_150 = arith.subi %add3A_147, %sub3A_149 : vector<16xi32>
      tpu.vector_store_idx %arg5[%sub3A_150], %or3A_139 : memref<32768xi32, #tpu.memory_space<vmem>>[vector<16xi32>], vector<16xi32>,
      tpu.vector_store_idx %arg6[%and3A_127], %broadcast_in_dim3A_1 {add = true} : memref<32768xi32, #tpu.memory_space<vmem>>[vector<16xi32>], vector<16xi32>,
      %get3A_151 = arith.constant 0 : index
      %get3A_152 = tpu.vector_load %arg5[%get3A_151] {strides = array<i32>} : memref<32768xi32, #tpu.memory_space<vmem>>, vector<16xi32>,
      %shift_right_logical3A = arith.constant 15 : i32
      %shift_right_logical3A_153 = vector.broadcast %shift_right_logical3A : i32 to vector<16xi32>
      %shift_right_logical3A_154 = arith.shrui %get3A_152, %shift_right_logical3A_153 : vector<16xi32>
      %and3A_155 = arith.constant 511 : i32
      %and3A_156 = vector.broadcast %and3A_155 : i32 to vector<16xi32>
      %and3A_157 = arith.andi %shift_right_logical3A_154, %and3A_156 : vector<16xi32>
      %broadcast_in_dim3A_158 = arith.constant true
      %broadcast_in_dim3A_159 = vector.broadcast %broadcast_in_dim3A_158 : i1 to vector<16xi1>
      %unique3A_160, %unique3A_161 = tpu.scan_count mask(%broadcast_in_dim3A_159 : vector<16xi1>) value(%and3A_157 : vector<16xi32>) : vector<16xi1>, vector<16xi32>
      %scan3A_162 = arith.constant 0 : i32
      %scan3A_163 = arith.constant 2044 : i32
      %scan3A_164 = arith.addi %scan3A_162, %scan3A_163 : i32
      %scan3A_165 = arith.constant 4 : i32
      %scan3A_166:3 = scf.for %scan3A_354 = %scan3A_162 to %scan3A_164 step %scan3A_165 iter_args(%scan3A_355 = %and3A_157, %scan3A_356 = %unique3A_161, %scan3A_357 = %get3A_152) -> (vector<16xi32>, vector<16xi32>, vector<16xi32>)  : i32 {
        %add3A_358 = arith.constant 1 : i32
        %add3A_359 = arith.addi %scan3A_354, %add3A_358 : i32
        %mul3A_360 = arith.constant 16 : i32
        %mul3A_361 = arith.muli %add3A_359, %mul3A_360 : i32
        %get3A_362 = arith.index_cast %mul3A_361 : i32 to index
        %get3A_363 = tpu.vector_load %arg5[%get3A_362] {strides = array<i32>} : memref<32768xi32, #tpu.memory_space<vmem>>, vector<16xi32>,
        %shift_right_logical3A_364 = arith.constant 15 : i32
        %shift_right_logical3A_365 = vector.broadcast %shift_right_logical3A_364 : i32 to vector<16xi32>
        %shift_right_logical3A_366 = arith.shrui %get3A_363, %shift_right_logical3A_365 : vector<16xi32>
        %and3A_367 = arith.constant 511 : i32
        %and3A_368 = vector.broadcast %and3A_367 : i32 to vector<16xi32>
        %and3A_369 = arith.andi %shift_right_logical3A_366, %and3A_368 : vector<16xi32>
        %broadcast_in_dim3A_370 = arith.constant true
        %broadcast_in_dim3A_371 = vector.broadcast %broadcast_in_dim3A_370 : i1 to vector<16xi1>
        %unique3A_372, %unique3A_373 = tpu.scan_count mask(%broadcast_in_dim3A_371 : vector<16xi1>) value(%and3A_369 : vector<16xi32>) : vector<16xi1>, vector<16xi32>
        %gather3A_374 = tpu.vector_load_idx %arg7[%scan3A_355] : memref<512xi32, #tpu.memory_space<vmem>>[vector<16xi32>], vector<16xi32>,
        %add3A_375 = arith.addi %gather3A_374, %scan3A_356 : vector<16xi32>
        %sub3A_376 = arith.constant 1 : i32
        %sub3A_377 = vector.broadcast %sub3A_376 : i32 to vector<16xi32>
        %sub3A_378 = arith.subi %add3A_375, %sub3A_377 : vector<16xi32>
        %bitcast3A_379 = vector.bitcast %scan3A_357 : vector<16xi32> to vector<16xf32>
        tpu.vector_store_idx %arg4[%sub3A_378], %bitcast3A_379 : memref<32768xf32, #tpu.memory_space<vmem>>[vector<16xi32>], vector<16xf32>,
        tpu.vector_store_idx %arg7[%scan3A_355], %broadcast_in_dim3A_1 {add = true} : memref<512xi32, #tpu.memory_space<vmem>>[vector<16xi32>], vector<16xi32>,
        %scan3A_380 = arith.constant 1 : i32
        %scan3A_381 = arith.addi %scan3A_354, %scan3A_380 : i32
        %add3A_382 = arith.constant 1 : i32
        %add3A_383 = arith.addi %scan3A_381, %add3A_382 : i32
        %mul3A_384 = arith.constant 16 : i32
        %mul3A_385 = arith.muli %add3A_383, %mul3A_384 : i32
        %get3A_386 = arith.index_cast %mul3A_385 : i32 to index
        %get3A_387 = tpu.vector_load %arg5[%get3A_386] {strides = array<i32>} : memref<32768xi32, #tpu.memory_space<vmem>>, vector<16xi32>,
        %shift_right_logical3A_388 = arith.constant 15 : i32
        %shift_right_logical3A_389 = vector.broadcast %shift_right_logical3A_388 : i32 to vector<16xi32>
        %shift_right_logical3A_390 = arith.shrui %get3A_387, %shift_right_logical3A_389 : vector<16xi32>
        %and3A_391 = arith.constant 511 : i32
        %and3A_392 = vector.broadcast %and3A_391 : i32 to vector<16xi32>
        %and3A_393 = arith.andi %shift_right_logical3A_390, %and3A_392 : vector<16xi32>
        %broadcast_in_dim3A_394 = arith.constant true
        %broadcast_in_dim3A_395 = vector.broadcast %broadcast_in_dim3A_394 : i1 to vector<16xi1>
        %unique3A_396, %unique3A_397 = tpu.scan_count mask(%broadcast_in_dim3A_395 : vector<16xi1>) value(%and3A_393 : vector<16xi32>) : vector<16xi1>, vector<16xi32>
        %gather3A_398 = tpu.vector_load_idx %arg7[%and3A_369] : memref<512xi32, #tpu.memory_space<vmem>>[vector<16xi32>], vector<16xi32>,
        %add3A_399 = arith.addi %gather3A_398, %unique3A_373 : vector<16xi32>
        %sub3A_400 = arith.constant 1 : i32
        %sub3A_401 = vector.broadcast %sub3A_400 : i32 to vector<16xi32>
        %sub3A_402 = arith.subi %add3A_399, %sub3A_401 : vector<16xi32>
        %bitcast3A_403 = vector.bitcast %get3A_363 : vector<16xi32> to vector<16xf32>
        tpu.vector_store_idx %arg4[%sub3A_402], %bitcast3A_403 : memref<32768xf32, #tpu.memory_space<vmem>>[vector<16xi32>], vector<16xf32>,
        tpu.vector_store_idx %arg7[%and3A_369], %broadcast_in_dim3A_1 {add = true} : memref<512xi32, #tpu.memory_space<vmem>>[vector<16xi32>], vector<16xi32>,
        %scan3A_404 = arith.constant 2 : i32
        %scan3A_405 = arith.addi %scan3A_354, %scan3A_404 : i32
        %add3A_406 = arith.constant 1 : i32
        %add3A_407 = arith.addi %scan3A_405, %add3A_406 : i32
        %mul3A_408 = arith.constant 16 : i32
        %mul3A_409 = arith.muli %add3A_407, %mul3A_408 : i32
        %get3A_410 = arith.index_cast %mul3A_409 : i32 to index
        %get3A_411 = tpu.vector_load %arg5[%get3A_410] {strides = array<i32>} : memref<32768xi32, #tpu.memory_space<vmem>>, vector<16xi32>,
        %shift_right_logical3A_412 = arith.constant 15 : i32
        %shift_right_logical3A_413 = vector.broadcast %shift_right_logical3A_412 : i32 to vector<16xi32>
        %shift_right_logical3A_414 = arith.shrui %get3A_411, %shift_right_logical3A_413 : vector<16xi32>
        %and3A_415 = arith.constant 511 : i32
        %and3A_416 = vector.broadcast %and3A_415 : i32 to vector<16xi32>
        %and3A_417 = arith.andi %shift_right_logical3A_414, %and3A_416 : vector<16xi32>
        %broadcast_in_dim3A_418 = arith.constant true
        %broadcast_in_dim3A_419 = vector.broadcast %broadcast_in_dim3A_418 : i1 to vector<16xi1>
        %unique3A_420, %unique3A_421 = tpu.scan_count mask(%broadcast_in_dim3A_419 : vector<16xi1>) value(%and3A_417 : vector<16xi32>) : vector<16xi1>, vector<16xi32>
        %gather3A_422 = tpu.vector_load_idx %arg7[%and3A_393] : memref<512xi32, #tpu.memory_space<vmem>>[vector<16xi32>], vector<16xi32>,
        %add3A_423 = arith.addi %gather3A_422, %unique3A_397 : vector<16xi32>
        %sub3A_424 = arith.constant 1 : i32
        %sub3A_425 = vector.broadcast %sub3A_424 : i32 to vector<16xi32>
        %sub3A_426 = arith.subi %add3A_423, %sub3A_425 : vector<16xi32>
        %bitcast3A_427 = vector.bitcast %get3A_387 : vector<16xi32> to vector<16xf32>
        tpu.vector_store_idx %arg4[%sub3A_426], %bitcast3A_427 : memref<32768xf32, #tpu.memory_space<vmem>>[vector<16xi32>], vector<16xf32>,
        tpu.vector_store_idx %arg7[%and3A_393], %broadcast_in_dim3A_1 {add = true} : memref<512xi32, #tpu.memory_space<vmem>>[vector<16xi32>], vector<16xi32>,
        %scan3A_428 = arith.constant 3 : i32
        %scan3A_429 = arith.addi %scan3A_354, %scan3A_428 : i32
        %add3A_430 = arith.constant 1 : i32
        %add3A_431 = arith.addi %scan3A_429, %add3A_430 : i32
        %mul3A_432 = arith.constant 16 : i32
        %mul3A_433 = arith.muli %add3A_431, %mul3A_432 : i32
        %get3A_434 = arith.index_cast %mul3A_433 : i32 to index
        %get3A_435 = tpu.vector_load %arg5[%get3A_434] {strides = array<i32>} : memref<32768xi32, #tpu.memory_space<vmem>>, vector<16xi32>,
        %shift_right_logical3A_436 = arith.constant 15 : i32
        %shift_right_logical3A_437 = vector.broadcast %shift_right_logical3A_436 : i32 to vector<16xi32>
        %shift_right_logical3A_438 = arith.shrui %get3A_435, %shift_right_logical3A_437 : vector<16xi32>
        %and3A_439 = arith.constant 511 : i32
        %and3A_440 = vector.broadcast %and3A_439 : i32 to vector<16xi32>
        %and3A_441 = arith.andi %shift_right_logical3A_438, %and3A_440 : vector<16xi32>
        %broadcast_in_dim3A_442 = arith.constant true
        %broadcast_in_dim3A_443 = vector.broadcast %broadcast_in_dim3A_442 : i1 to vector<16xi1>
        %unique3A_444, %unique3A_445 = tpu.scan_count mask(%broadcast_in_dim3A_443 : vector<16xi1>) value(%and3A_441 : vector<16xi32>) : vector<16xi1>, vector<16xi32>
        %gather3A_446 = tpu.vector_load_idx %arg7[%and3A_417] : memref<512xi32, #tpu.memory_space<vmem>>[vector<16xi32>], vector<16xi32>,
        %add3A_447 = arith.addi %gather3A_446, %unique3A_421 : vector<16xi32>
        %sub3A_448 = arith.constant 1 : i32
        %sub3A_449 = vector.broadcast %sub3A_448 : i32 to vector<16xi32>
        %sub3A_450 = arith.subi %add3A_447, %sub3A_449 : vector<16xi32>
        %bitcast3A_451 = vector.bitcast %get3A_411 : vector<16xi32> to vector<16xf32>
        tpu.vector_store_idx %arg4[%sub3A_450], %bitcast3A_451 : memref<32768xf32, #tpu.memory_space<vmem>>[vector<16xi32>], vector<16xf32>,
        tpu.vector_store_idx %arg7[%and3A_417], %broadcast_in_dim3A_1 {add = true} : memref<512xi32, #tpu.memory_space<vmem>>[vector<16xi32>], vector<16xi32>,
        scf.yield %and3A_441, %unique3A_445, %get3A_435 : vector<16xi32>, vector<16xi32>, vector<16xi32>
      }
      %scan3A_167 = arith.constant 2044 : i32
      %scan3A_168 = arith.addi %scan3A_162, %scan3A_167 : i32
      %add3A_169 = arith.constant 1 : i32
      %add3A_170 = arith.addi %scan3A_168, %add3A_169 : i32
      %mul3A_171 = arith.constant 16 : i32
      %mul3A_172 = arith.muli %add3A_170, %mul3A_171 : i32
      %get3A_173 = arith.index_cast %mul3A_172 : i32 to index
      %get3A_174 = tpu.vector_load %arg5[%get3A_173] {strides = array<i32>} : memref<32768xi32, #tpu.memory_space<vmem>>, vector<16xi32>,
      %shift_right_logical3A_175 = arith.constant 15 : i32
      %shift_right_logical3A_176 = vector.broadcast %shift_right_logical3A_175 : i32 to vector<16xi32>
      %shift_right_logical3A_177 = arith.shrui %get3A_174, %shift_right_logical3A_176 : vector<16xi32>
      %and3A_178 = arith.constant 511 : i32
      %and3A_179 = vector.broadcast %and3A_178 : i32 to vector<16xi32>
      %and3A_180 = arith.andi %shift_right_logical3A_177, %and3A_179 : vector<16xi32>
      %broadcast_in_dim3A_181 = arith.constant true
      %broadcast_in_dim3A_182 = vector.broadcast %broadcast_in_dim3A_181 : i1 to vector<16xi1>
      %unique3A_183, %unique3A_184 = tpu.scan_count mask(%broadcast_in_dim3A_182 : vector<16xi1>) value(%and3A_180 : vector<16xi32>) : vector<16xi1>, vector<16xi32>
      %gather3A_185 = tpu.vector_load_idx %arg7[%scan3A_166#0] : memref<512xi32, #tpu.memory_space<vmem>>[vector<16xi32>], vector<16xi32>,
      %add3A_186 = arith.addi %gather3A_185, %scan3A_166#1 : vector<16xi32>
      %sub3A_187 = arith.constant 1 : i32
      %sub3A_188 = vector.broadcast %sub3A_187 : i32 to vector<16xi32>
      %sub3A_189 = arith.subi %add3A_186, %sub3A_188 : vector<16xi32>
      %bitcast3A_190 = vector.bitcast %scan3A_166#2 : vector<16xi32> to vector<16xf32>
      tpu.vector_store_idx %arg4[%sub3A_189], %bitcast3A_190 : memref<32768xf32, #tpu.memory_space<vmem>>[vector<16xi32>], vector<16xf32>,
      tpu.vector_store_idx %arg7[%scan3A_166#0], %broadcast_in_dim3A_1 {add = true} : memref<512xi32, #tpu.memory_space<vmem>>[vector<16xi32>], vector<16xi32>,
      %scan3A_191 = arith.constant 2045 : i32
      %scan3A_192 = arith.addi %scan3A_162, %scan3A_191 : i32
      %add3A_193 = arith.constant 1 : i32
      %add3A_194 = arith.addi %scan3A_192, %add3A_193 : i32
      %mul3A_195 = arith.constant 16 : i32
      %mul3A_196 = arith.muli %add3A_194, %mul3A_195 : i32
      %get3A_197 = arith.index_cast %mul3A_196 : i32 to index
      %get3A_198 = tpu.vector_load %arg5[%get3A_197] {strides = array<i32>} : memref<32768xi32, #tpu.memory_space<vmem>>, vector<16xi32>,
      %shift_right_logical3A_199 = arith.constant 15 : i32
      %shift_right_logical3A_200 = vector.broadcast %shift_right_logical3A_199 : i32 to vector<16xi32>
      %shift_right_logical3A_201 = arith.shrui %get3A_198, %shift_right_logical3A_200 : vector<16xi32>
      %and3A_202 = arith.constant 511 : i32
      %and3A_203 = vector.broadcast %and3A_202 : i32 to vector<16xi32>
      %and3A_204 = arith.andi %shift_right_logical3A_201, %and3A_203 : vector<16xi32>
      %broadcast_in_dim3A_205 = arith.constant true
      %broadcast_in_dim3A_206 = vector.broadcast %broadcast_in_dim3A_205 : i1 to vector<16xi1>
      %unique3A_207, %unique3A_208 = tpu.scan_count mask(%broadcast_in_dim3A_206 : vector<16xi1>) value(%and3A_204 : vector<16xi32>) : vector<16xi1>, vector<16xi32>
      %gather3A_209 = tpu.vector_load_idx %arg7[%and3A_180] : memref<512xi32, #tpu.memory_space<vmem>>[vector<16xi32>], vector<16xi32>,
      %add3A_210 = arith.addi %gather3A_209, %unique3A_184 : vector<16xi32>
      %sub3A_211 = arith.constant 1 : i32
      %sub3A_212 = vector.broadcast %sub3A_211 : i32 to vector<16xi32>
      %sub3A_213 = arith.subi %add3A_210, %sub3A_212 : vector<16xi32>
      %bitcast3A_214 = vector.bitcast %get3A_174 : vector<16xi32> to vector<16xf32>
      tpu.vector_store_idx %arg4[%sub3A_213], %bitcast3A_214 : memref<32768xf32, #tpu.memory_space<vmem>>[vector<16xi32>], vector<16xf32>,
      tpu.vector_store_idx %arg7[%and3A_180], %broadcast_in_dim3A_1 {add = true} : memref<512xi32, #tpu.memory_space<vmem>>[vector<16xi32>], vector<16xi32>,
      %scan3A_215 = arith.constant 2046 : i32
      %scan3A_216 = arith.addi %scan3A_162, %scan3A_215 : i32
      %add3A_217 = arith.constant 1 : i32
      %add3A_218 = arith.addi %scan3A_216, %add3A_217 : i32
      %mul3A_219 = arith.constant 16 : i32
      %mul3A_220 = arith.muli %add3A_218, %mul3A_219 : i32
      %get3A_221 = arith.index_cast %mul3A_220 : i32 to index
      %get3A_222 = tpu.vector_load %arg5[%get3A_221] {strides = array<i32>} : memref<32768xi32, #tpu.memory_space<vmem>>, vector<16xi32>,
      %shift_right_logical3A_223 = arith.constant 15 : i32
      %shift_right_logical3A_224 = vector.broadcast %shift_right_logical3A_223 : i32 to vector<16xi32>
      %shift_right_logical3A_225 = arith.shrui %get3A_222, %shift_right_logical3A_224 : vector<16xi32>
      %and3A_226 = arith.constant 511 : i32
      %and3A_227 = vector.broadcast %and3A_226 : i32 to vector<16xi32>
      %and3A_228 = arith.andi %shift_right_logical3A_225, %and3A_227 : vector<16xi32>
      %broadcast_in_dim3A_229 = arith.constant true
      %broadcast_in_dim3A_230 = vector.broadcast %broadcast_in_dim3A_229 : i1 to vector<16xi1>
      %unique3A_231, %unique3A_232 = tpu.scan_count mask(%broadcast_in_dim3A_230 : vector<16xi1>) value(%and3A_228 : vector<16xi32>) : vector<16xi1>, vector<16xi32>
      %gather3A_233 = tpu.vector_load_idx %arg7[%and3A_204] : memref<512xi32, #tpu.memory_space<vmem>>[vector<16xi32>], vector<16xi32>,
      %add3A_234 = arith.addi %gather3A_233, %unique3A_208 : vector<16xi32>
      %sub3A_235 = arith.constant 1 : i32
      %sub3A_236 = vector.broadcast %sub3A_235 : i32 to vector<16xi32>
      %sub3A_237 = arith.subi %add3A_234, %sub3A_236 : vector<16xi32>
      %bitcast3A_238 = vector.bitcast %get3A_198 : vector<16xi32> to vector<16xf32>
      tpu.vector_store_idx %arg4[%sub3A_237], %bitcast3A_238 : memref<32768xf32, #tpu.memory_space<vmem>>[vector<16xi32>], vector<16xf32>,
      tpu.vector_store_idx %arg7[%and3A_204], %broadcast_in_dim3A_1 {add = true} : memref<512xi32, #tpu.memory_space<vmem>>[vector<16xi32>], vector<16xi32>,
      %scan3A_239 = arith.constant 2047 : i32
      %gather3A_240 = tpu.vector_load_idx %arg7[%and3A_228] : memref<512xi32, #tpu.memory_space<vmem>>[vector<16xi32>], vector<16xi32>,
      %add3A_241 = arith.addi %gather3A_240, %unique3A_232 : vector<16xi32>
      %sub3A_242 = arith.constant 1 : i32
      %sub3A_243 = vector.broadcast %sub3A_242 : i32 to vector<16xi32>
      %sub3A_244 = arith.subi %add3A_241, %sub3A_243 : vector<16xi32>
      %bitcast3A_245 = vector.bitcast %get3A_222 : vector<16xi32> to vector<16xf32>
      tpu.vector_store_idx %arg4[%sub3A_244], %bitcast3A_245 : memref<32768xf32, #tpu.memory_space<vmem>>[vector<16xi32>], vector<16xf32>,
      tpu.vector_store_idx %arg7[%and3A_228], %broadcast_in_dim3A_1 {add = true} : memref<512xi32, #tpu.memory_space<vmem>>[vector<16xi32>], vector<16xi32>,
      %get3A_246 = arith.constant 0 : index
      %get3A_247 = tpu.vector_load %arg4[%get3A_246] {strides = array<i32>} : memref<32768xf32, #tpu.memory_space<vmem>>, vector<16xf32>,
      %bitcast3A_248 = vector.bitcast %get3A_247 : vector<16xf32> to vector<16xi32>
      %shift_right_logical3A_249 = arith.constant 24 : i32
      %shift_right_logical3A_250 = vector.broadcast %shift_right_logical3A_249 : i32 to vector<16xi32>
      %shift_right_logical3A_251 = arith.shrui %bitcast3A_248, %shift_right_logical3A_250 : vector<16xi32>
      %and3A_252 = arith.constant 255 : i32
      %and3A_253 = vector.broadcast %and3A_252 : i32 to vector<16xi32>
      %and3A_254 = arith.andi %shift_right_logical3A_251, %and3A_253 : vector<16xi32>
      %broadcast_in_dim3A_255 = arith.constant true
      %broadcast_in_dim3A_256 = vector.broadcast %broadcast_in_dim3A_255 : i1 to vector<16xi1>
      %unique3A_257, %unique3A_258 = tpu.scan_count mask(%broadcast_in_dim3A_256 : vector<16xi1>) value(%and3A_254 : vector<16xi32>) : vector<16xi1>, vector<16xi32>
      %and3A_259 = arith.constant 32767 : i32
      %and3A_260 = vector.broadcast %and3A_259 : i32 to vector<16xi32>
      %and3A_261 = arith.andi %bitcast3A_248, %and3A_260 : vector<16xi32>
      %scan3A_262 = arith.constant 0 : i32
      %scan3A_263 = arith.constant 2044 : i32
      %scan3A_264 = arith.addi %scan3A_262, %scan3A_263 : i32
      %scan3A_265 = arith.constant 4 : i32
      %scan3A_266:3 = scf.for %scan3A_354 = %scan3A_262 to %scan3A_264 step %scan3A_265 iter_args(%scan3A_355 = %and3A_254, %scan3A_356 = %unique3A_258, %scan3A_357 = %and3A_261) -> (vector<16xi32>, vector<16xi32>, vector<16xi32>)  : i32 {
        %add3A_358 = arith.constant 1 : i32
        %add3A_359 = arith.addi %scan3A_354, %add3A_358 : i32
        %mul3A_360 = arith.constant 16 : i32
        %mul3A_361 = arith.muli %add3A_359, %mul3A_360 : i32
        %get3A_362 = arith.index_cast %mul3A_361 : i32 to index
        %get3A_363 = tpu.vector_load %arg4[%get3A_362] {strides = array<i32>} : memref<32768xf32, #tpu.memory_space<vmem>>, vector<16xf32>,
        %bitcast3A_364 = vector.bitcast %get3A_363 : vector<16xf32> to vector<16xi32>
        %shift_right_logical3A_365 = arith.constant 24 : i32
        %shift_right_logical3A_366 = vector.broadcast %shift_right_logical3A_365 : i32 to vector<16xi32>
        %shift_right_logical3A_367 = arith.shrui %bitcast3A_364, %shift_right_logical3A_366 : vector<16xi32>
        %and3A_368 = arith.constant 255 : i32
        %and3A_369 = vector.broadcast %and3A_368 : i32 to vector<16xi32>
        %and3A_370 = arith.andi %shift_right_logical3A_367, %and3A_369 : vector<16xi32>
        %broadcast_in_dim3A_371 = arith.constant true
        %broadcast_in_dim3A_372 = vector.broadcast %broadcast_in_dim3A_371 : i1 to vector<16xi1>
        %unique3A_373, %unique3A_374 = tpu.scan_count mask(%broadcast_in_dim3A_372 : vector<16xi1>) value(%and3A_370 : vector<16xi32>) : vector<16xi1>, vector<16xi32>
        %and3A_375 = arith.constant 32767 : i32
        %and3A_376 = vector.broadcast %and3A_375 : i32 to vector<16xi32>
        %and3A_377 = arith.andi %bitcast3A_364, %and3A_376 : vector<16xi32>
        %gather3A_378 = tpu.vector_load_idx %arg8[%scan3A_355] : memref<256xi32, #tpu.memory_space<vmem>>[vector<16xi32>], vector<16xi32>,
        %add3A_379 = arith.addi %gather3A_378, %scan3A_356 : vector<16xi32>
        %sub3A_380 = arith.constant 1 : i32
        %sub3A_381 = vector.broadcast %sub3A_380 : i32 to vector<16xi32>
        %sub3A_382 = arith.subi %add3A_379, %sub3A_381 : vector<16xi32>
        tpu.vector_store_idx %arg5[%sub3A_382], %scan3A_357 : memref<32768xi32, #tpu.memory_space<vmem>>[vector<16xi32>], vector<16xi32>,
        tpu.vector_store_idx %arg8[%scan3A_355], %broadcast_in_dim3A_1 {add = true} : memref<256xi32, #tpu.memory_space<vmem>>[vector<16xi32>], vector<16xi32>,
        %scan3A_383 = arith.constant 1 : i32
        %scan3A_384 = arith.addi %scan3A_354, %scan3A_383 : i32
        %add3A_385 = arith.constant 1 : i32
        %add3A_386 = arith.addi %scan3A_384, %add3A_385 : i32
        %mul3A_387 = arith.constant 16 : i32
        %mul3A_388 = arith.muli %add3A_386, %mul3A_387 : i32
        %get3A_389 = arith.index_cast %mul3A_388 : i32 to index
        %get3A_390 = tpu.vector_load %arg4[%get3A_389] {strides = array<i32>} : memref<32768xf32, #tpu.memory_space<vmem>>, vector<16xf32>,
        %bitcast3A_391 = vector.bitcast %get3A_390 : vector<16xf32> to vector<16xi32>
        %shift_right_logical3A_392 = arith.constant 24 : i32
        %shift_right_logical3A_393 = vector.broadcast %shift_right_logical3A_392 : i32 to vector<16xi32>
        %shift_right_logical3A_394 = arith.shrui %bitcast3A_391, %shift_right_logical3A_393 : vector<16xi32>
        %and3A_395 = arith.constant 255 : i32
        %and3A_396 = vector.broadcast %and3A_395 : i32 to vector<16xi32>
        %and3A_397 = arith.andi %shift_right_logical3A_394, %and3A_396 : vector<16xi32>
        %broadcast_in_dim3A_398 = arith.constant true
        %broadcast_in_dim3A_399 = vector.broadcast %broadcast_in_dim3A_398 : i1 to vector<16xi1>
        %unique3A_400, %unique3A_401 = tpu.scan_count mask(%broadcast_in_dim3A_399 : vector<16xi1>) value(%and3A_397 : vector<16xi32>) : vector<16xi1>, vector<16xi32>
        %and3A_402 = arith.constant 32767 : i32
        %and3A_403 = vector.broadcast %and3A_402 : i32 to vector<16xi32>
        %and3A_404 = arith.andi %bitcast3A_391, %and3A_403 : vector<16xi32>
        %gather3A_405 = tpu.vector_load_idx %arg8[%and3A_370] : memref<256xi32, #tpu.memory_space<vmem>>[vector<16xi32>], vector<16xi32>,
        %add3A_406 = arith.addi %gather3A_405, %unique3A_374 : vector<16xi32>
        %sub3A_407 = arith.constant 1 : i32
        %sub3A_408 = vector.broadcast %sub3A_407 : i32 to vector<16xi32>
        %sub3A_409 = arith.subi %add3A_406, %sub3A_408 : vector<16xi32>
        tpu.vector_store_idx %arg5[%sub3A_409], %and3A_377 : memref<32768xi32, #tpu.memory_space<vmem>>[vector<16xi32>], vector<16xi32>,
        tpu.vector_store_idx %arg8[%and3A_370], %broadcast_in_dim3A_1 {add = true} : memref<256xi32, #tpu.memory_space<vmem>>[vector<16xi32>], vector<16xi32>,
        %scan3A_410 = arith.constant 2 : i32
        %scan3A_411 = arith.addi %scan3A_354, %scan3A_410 : i32
        %add3A_412 = arith.constant 1 : i32
        %add3A_413 = arith.addi %scan3A_411, %add3A_412 : i32
        %mul3A_414 = arith.constant 16 : i32
        %mul3A_415 = arith.muli %add3A_413, %mul3A_414 : i32
        %get3A_416 = arith.index_cast %mul3A_415 : i32 to index
        %get3A_417 = tpu.vector_load %arg4[%get3A_416] {strides = array<i32>} : memref<32768xf32, #tpu.memory_space<vmem>>, vector<16xf32>,
        %bitcast3A_418 = vector.bitcast %get3A_417 : vector<16xf32> to vector<16xi32>
        %shift_right_logical3A_419 = arith.constant 24 : i32
        %shift_right_logical3A_420 = vector.broadcast %shift_right_logical3A_419 : i32 to vector<16xi32>
        %shift_right_logical3A_421 = arith.shrui %bitcast3A_418, %shift_right_logical3A_420 : vector<16xi32>
        %and3A_422 = arith.constant 255 : i32
        %and3A_423 = vector.broadcast %and3A_422 : i32 to vector<16xi32>
        %and3A_424 = arith.andi %shift_right_logical3A_421, %and3A_423 : vector<16xi32>
        %broadcast_in_dim3A_425 = arith.constant true
        %broadcast_in_dim3A_426 = vector.broadcast %broadcast_in_dim3A_425 : i1 to vector<16xi1>
        %unique3A_427, %unique3A_428 = tpu.scan_count mask(%broadcast_in_dim3A_426 : vector<16xi1>) value(%and3A_424 : vector<16xi32>) : vector<16xi1>, vector<16xi32>
        %and3A_429 = arith.constant 32767 : i32
        %and3A_430 = vector.broadcast %and3A_429 : i32 to vector<16xi32>
        %and3A_431 = arith.andi %bitcast3A_418, %and3A_430 : vector<16xi32>
        %gather3A_432 = tpu.vector_load_idx %arg8[%and3A_397] : memref<256xi32, #tpu.memory_space<vmem>>[vector<16xi32>], vector<16xi32>,
        %add3A_433 = arith.addi %gather3A_432, %unique3A_401 : vector<16xi32>
        %sub3A_434 = arith.constant 1 : i32
        %sub3A_435 = vector.broadcast %sub3A_434 : i32 to vector<16xi32>
        %sub3A_436 = arith.subi %add3A_433, %sub3A_435 : vector<16xi32>
        tpu.vector_store_idx %arg5[%sub3A_436], %and3A_404 : memref<32768xi32, #tpu.memory_space<vmem>>[vector<16xi32>], vector<16xi32>,
        tpu.vector_store_idx %arg8[%and3A_397], %broadcast_in_dim3A_1 {add = true} : memref<256xi32, #tpu.memory_space<vmem>>[vector<16xi32>], vector<16xi32>,
        %scan3A_437 = arith.constant 3 : i32
        %scan3A_438 = arith.addi %scan3A_354, %scan3A_437 : i32
        %add3A_439 = arith.constant 1 : i32
        %add3A_440 = arith.addi %scan3A_438, %add3A_439 : i32
        %mul3A_441 = arith.constant 16 : i32
        %mul3A_442 = arith.muli %add3A_440, %mul3A_441 : i32
        %get3A_443 = arith.index_cast %mul3A_442 : i32 to index
        %get3A_444 = tpu.vector_load %arg4[%get3A_443] {strides = array<i32>} : memref<32768xf32, #tpu.memory_space<vmem>>, vector<16xf32>,
        %bitcast3A_445 = vector.bitcast %get3A_444 : vector<16xf32> to vector<16xi32>
        %shift_right_logical3A_446 = arith.constant 24 : i32
        %shift_right_logical3A_447 = vector.broadcast %shift_right_logical3A_446 : i32 to vector<16xi32>
        %shift_right_logical3A_448 = arith.shrui %bitcast3A_445, %shift_right_logical3A_447 : vector<16xi32>
        %and3A_449 = arith.constant 255 : i32
        %and3A_450 = vector.broadcast %and3A_449 : i32 to vector<16xi32>
        %and3A_451 = arith.andi %shift_right_logical3A_448, %and3A_450 : vector<16xi32>
        %broadcast_in_dim3A_452 = arith.constant true
        %broadcast_in_dim3A_453 = vector.broadcast %broadcast_in_dim3A_452 : i1 to vector<16xi1>
        %unique3A_454, %unique3A_455 = tpu.scan_count mask(%broadcast_in_dim3A_453 : vector<16xi1>) value(%and3A_451 : vector<16xi32>) : vector<16xi1>, vector<16xi32>
        %and3A_456 = arith.constant 32767 : i32
        %and3A_457 = vector.broadcast %and3A_456 : i32 to vector<16xi32>
        %and3A_458 = arith.andi %bitcast3A_445, %and3A_457 : vector<16xi32>
        %gather3A_459 = tpu.vector_load_idx %arg8[%and3A_424] : memref<256xi32, #tpu.memory_space<vmem>>[vector<16xi32>], vector<16xi32>,
        %add3A_460 = arith.addi %gather3A_459, %unique3A_428 : vector<16xi32>
        %sub3A_461 = arith.constant 1 : i32
        %sub3A_462 = vector.broadcast %sub3A_461 : i32 to vector<16xi32>
        %sub3A_463 = arith.subi %add3A_460, %sub3A_462 : vector<16xi32>
        tpu.vector_store_idx %arg5[%sub3A_463], %and3A_431 : memref<32768xi32, #tpu.memory_space<vmem>>[vector<16xi32>], vector<16xi32>,
        tpu.vector_store_idx %arg8[%and3A_424], %broadcast_in_dim3A_1 {add = true} : memref<256xi32, #tpu.memory_space<vmem>>[vector<16xi32>], vector<16xi32>,
        scf.yield %and3A_451, %unique3A_455, %and3A_458 : vector<16xi32>, vector<16xi32>, vector<16xi32>
      }
      %scan3A_267 = arith.constant 2044 : i32
      %scan3A_268 = arith.addi %scan3A_262, %scan3A_267 : i32
      %add3A_269 = arith.constant 1 : i32
      %add3A_270 = arith.addi %scan3A_268, %add3A_269 : i32
      %mul3A_271 = arith.constant 16 : i32
      %mul3A_272 = arith.muli %add3A_270, %mul3A_271 : i32
      %get3A_273 = arith.index_cast %mul3A_272 : i32 to index
      %get3A_274 = tpu.vector_load %arg4[%get3A_273] {strides = array<i32>} : memref<32768xf32, #tpu.memory_space<vmem>>, vector<16xf32>,
      %bitcast3A_275 = vector.bitcast %get3A_274 : vector<16xf32> to vector<16xi32>
      %shift_right_logical3A_276 = arith.constant 24 : i32
      %shift_right_logical3A_277 = vector.broadcast %shift_right_logical3A_276 : i32 to vector<16xi32>
      %shift_right_logical3A_278 = arith.shrui %bitcast3A_275, %shift_right_logical3A_277 : vector<16xi32>
      %and3A_279 = arith.constant 255 : i32
      %and3A_280 = vector.broadcast %and3A_279 : i32 to vector<16xi32>
      %and3A_281 = arith.andi %shift_right_logical3A_278, %and3A_280 : vector<16xi32>
      %broadcast_in_dim3A_282 = arith.constant true
      %broadcast_in_dim3A_283 = vector.broadcast %broadcast_in_dim3A_282 : i1 to vector<16xi1>
      %unique3A_284, %unique3A_285 = tpu.scan_count mask(%broadcast_in_dim3A_283 : vector<16xi1>) value(%and3A_281 : vector<16xi32>) : vector<16xi1>, vector<16xi32>
      %and3A_286 = arith.constant 32767 : i32
      %and3A_287 = vector.broadcast %and3A_286 : i32 to vector<16xi32>
      %and3A_288 = arith.andi %bitcast3A_275, %and3A_287 : vector<16xi32>
      %gather3A_289 = tpu.vector_load_idx %arg8[%scan3A_266#0] : memref<256xi32, #tpu.memory_space<vmem>>[vector<16xi32>], vector<16xi32>,
      %add3A_290 = arith.addi %gather3A_289, %scan3A_266#1 : vector<16xi32>
      %sub3A_291 = arith.constant 1 : i32
      %sub3A_292 = vector.broadcast %sub3A_291 : i32 to vector<16xi32>
      %sub3A_293 = arith.subi %add3A_290, %sub3A_292 : vector<16xi32>
      tpu.vector_store_idx %arg5[%sub3A_293], %scan3A_266#2 : memref<32768xi32, #tpu.memory_space<vmem>>[vector<16xi32>], vector<16xi32>,
      tpu.vector_store_idx %arg8[%scan3A_266#0], %broadcast_in_dim3A_1 {add = true} : memref<256xi32, #tpu.memory_space<vmem>>[vector<16xi32>], vector<16xi32>,
      %scan3A_294 = arith.constant 2045 : i32
      %scan3A_295 = arith.addi %scan3A_262, %scan3A_294 : i32
      %add3A_296 = arith.constant 1 : i32
      %add3A_297 = arith.addi %scan3A_295, %add3A_296 : i32
      %mul3A_298 = arith.constant 16 : i32
      %mul3A_299 = arith.muli %add3A_297, %mul3A_298 : i32
      %get3A_300 = arith.index_cast %mul3A_299 : i32 to index
      %get3A_301 = tpu.vector_load %arg4[%get3A_300] {strides = array<i32>} : memref<32768xf32, #tpu.memory_space<vmem>>, vector<16xf32>,
      %bitcast3A_302 = vector.bitcast %get3A_301 : vector<16xf32> to vector<16xi32>
      %shift_right_logical3A_303 = arith.constant 24 : i32
      %shift_right_logical3A_304 = vector.broadcast %shift_right_logical3A_303 : i32 to vector<16xi32>
      %shift_right_logical3A_305 = arith.shrui %bitcast3A_302, %shift_right_logical3A_304 : vector<16xi32>
      %and3A_306 = arith.constant 255 : i32
      %and3A_307 = vector.broadcast %and3A_306 : i32 to vector<16xi32>
      %and3A_308 = arith.andi %shift_right_logical3A_305, %and3A_307 : vector<16xi32>
      %broadcast_in_dim3A_309 = arith.constant true
      %broadcast_in_dim3A_310 = vector.broadcast %broadcast_in_dim3A_309 : i1 to vector<16xi1>
      %unique3A_311, %unique3A_312 = tpu.scan_count mask(%broadcast_in_dim3A_310 : vector<16xi1>) value(%and3A_308 : vector<16xi32>) : vector<16xi1>, vector<16xi32>
      %and3A_313 = arith.constant 32767 : i32
      %and3A_314 = vector.broadcast %and3A_313 : i32 to vector<16xi32>
      %and3A_315 = arith.andi %bitcast3A_302, %and3A_314 : vector<16xi32>
      %gather3A_316 = tpu.vector_load_idx %arg8[%and3A_281] : memref<256xi32, #tpu.memory_space<vmem>>[vector<16xi32>], vector<16xi32>,
      %add3A_317 = arith.addi %gather3A_316, %unique3A_285 : vector<16xi32>
      %sub3A_318 = arith.constant 1 : i32
      %sub3A_319 = vector.broadcast %sub3A_318 : i32 to vector<16xi32>
      %sub3A_320 = arith.subi %add3A_317, %sub3A_319 : vector<16xi32>
      tpu.vector_store_idx %arg5[%sub3A_320], %and3A_288 : memref<32768xi32, #tpu.memory_space<vmem>>[vector<16xi32>], vector<16xi32>,
      tpu.vector_store_idx %arg8[%and3A_281], %broadcast_in_dim3A_1 {add = true} : memref<256xi32, #tpu.memory_space<vmem>>[vector<16xi32>], vector<16xi32>,
      %scan3A_321 = arith.constant 2046 : i32
      %scan3A_322 = arith.addi %scan3A_262, %scan3A_321 : i32
      %add3A_323 = arith.constant 1 : i32
      %add3A_324 = arith.addi %scan3A_322, %add3A_323 : i32
      %mul3A_325 = arith.constant 16 : i32
      %mul3A_326 = arith.muli %add3A_324, %mul3A_325 : i32
      %get3A_327 = arith.index_cast %mul3A_326 : i32 to index
      %get3A_328 = tpu.vector_load %arg4[%get3A_327] {strides = array<i32>} : memref<32768xf32, #tpu.memory_space<vmem>>, vector<16xf32>,
      %bitcast3A_329 = vector.bitcast %get3A_328 : vector<16xf32> to vector<16xi32>
      %shift_right_logical3A_330 = arith.constant 24 : i32
      %shift_right_logical3A_331 = vector.broadcast %shift_right_logical3A_330 : i32 to vector<16xi32>
      %shift_right_logical3A_332 = arith.shrui %bitcast3A_329, %shift_right_logical3A_331 : vector<16xi32>
      %and3A_333 = arith.constant 255 : i32
      %and3A_334 = vector.broadcast %and3A_333 : i32 to vector<16xi32>
      %and3A_335 = arith.andi %shift_right_logical3A_332, %and3A_334 : vector<16xi32>
      %broadcast_in_dim3A_336 = arith.constant true
      %broadcast_in_dim3A_337 = vector.broadcast %broadcast_in_dim3A_336 : i1 to vector<16xi1>
      %unique3A_338, %unique3A_339 = tpu.scan_count mask(%broadcast_in_dim3A_337 : vector<16xi1>) value(%and3A_335 : vector<16xi32>) : vector<16xi1>, vector<16xi32>
      %and3A_340 = arith.constant 32767 : i32
      %and3A_341 = vector.broadcast %and3A_340 : i32 to vector<16xi32>
      %and3A_342 = arith.andi %bitcast3A_329, %and3A_341 : vector<16xi32>
      %gather3A_343 = tpu.vector_load_idx %arg8[%and3A_308] : memref<256xi32, #tpu.memory_space<vmem>>[vector<16xi32>], vector<16xi32>,
      %add3A_344 = arith.addi %gather3A_343, %unique3A_312 : vector<16xi32>
      %sub3A_345 = arith.constant 1 : i32
      %sub3A_346 = vector.broadcast %sub3A_345 : i32 to vector<16xi32>
      %sub3A_347 = arith.subi %add3A_344, %sub3A_346 : vector<16xi32>
      tpu.vector_store_idx %arg5[%sub3A_347], %and3A_315 : memref<32768xi32, #tpu.memory_space<vmem>>[vector<16xi32>], vector<16xi32>,
      tpu.vector_store_idx %arg8[%and3A_308], %broadcast_in_dim3A_1 {add = true} : memref<256xi32, #tpu.memory_space<vmem>>[vector<16xi32>], vector<16xi32>,
      %scan3A_348 = arith.constant 2047 : i32
      %gather3A_349 = tpu.vector_load_idx %arg8[%and3A_335] : memref<256xi32, #tpu.memory_space<vmem>>[vector<16xi32>], vector<16xi32>,
      %add3A_350 = arith.addi %gather3A_349, %unique3A_339 : vector<16xi32>
      %sub3A_351 = arith.constant 1 : i32
      %sub3A_352 = vector.broadcast %sub3A_351 : i32 to vector<16xi32>
      %sub3A_353 = arith.subi %add3A_350, %sub3A_352 : vector<16xi32>
      tpu.vector_store_idx %arg5[%sub3A_353], %and3A_342 : memref<32768xi32, #tpu.memory_space<vmem>>[vector<16xi32>], vector<16xi32>,
      tpu.vector_store_idx %arg8[%and3A_335], %broadcast_in_dim3A_1 {add = true} : memref<256xi32, #tpu.memory_space<vmem>>[vector<16xi32>], vector<16xi32>,
      "tpu.region"() ({
        %run_scoped3A = tpu.sem_alloc : memref<!tpu.dma_semaphore, #tpu.memory_space<semaphore_mem>>
        %dma_start3A = arith.constant 0 : i32
        %dma_start3A_354 = tpu.memref_slice %arg3[%add3A_10, %dma_start3A] : memref<128x32768xi32, #tpu.memory_space<hbm>> -> memref<1x32768xi32, #tpu.memory_space<hbm>>
        %dma_start3A_355 = tpu.memref_squeeze %dma_start3A_354 : memref<1x32768xi32, #tpu.memory_space<hbm>> -> memref<32768xi32, #tpu.memory_space<hbm>>
        %dma_start3A_356 = arith.constant 0 : i32
        %dma_start3A_357 = tpu.memref_slice %arg3[%add3A_10, %dma_start3A_356] : memref<128x32768xi32, #tpu.memory_space<hbm>> -> memref<1x32768xi32, #tpu.memory_space<hbm>>
        %dma_start3A_358 = tpu.memref_squeeze %dma_start3A_357 : memref<1x32768xi32, #tpu.memory_space<hbm>> -> memref<32768xi32, #tpu.memory_space<hbm>>
        tpu.enqueue_dma source(%arg5 : memref<32768xi32, #tpu.memory_space<vmem>>) target(%dma_start3A_358 : memref<32768xi32, #tpu.memory_space<hbm>>) target_semaphore(%run_scoped3A : memref<!tpu.dma_semaphore, #tpu.memory_space<semaphore_mem>>)
        %dma_wait3A = arith.constant 0 : i32
        %dma_wait3A_359 = tpu.memref_slice %arg3[%add3A_10, %dma_wait3A] : memref<128x32768xi32, #tpu.memory_space<hbm>> -> memref<1x32768xi32, #tpu.memory_space<hbm>>
        %dma_wait3A_360 = tpu.memref_squeeze %dma_wait3A_359 : memref<1x32768xi32, #tpu.memory_space<hbm>> -> memref<32768xi32, #tpu.memory_space<hbm>>
        %dma_wait3A_361 = arith.constant 0 : i32
        %dma_wait3A_362 = tpu.memref_slice %arg3[%add3A_10, %dma_wait3A_361] : memref<128x32768xi32, #tpu.memory_space<hbm>> -> memref<1x32768xi32, #tpu.memory_space<hbm>>
        %dma_wait3A_363 = tpu.memref_squeeze %dma_wait3A_362 : memref<1x32768xi32, #tpu.memory_space<hbm>> -> memref<32768xi32, #tpu.memory_space<hbm>>
        tpu.wait_dma2 semaphore(%run_scoped3A : memref<!tpu.dma_semaphore, #tpu.memory_space<semaphore_mem>>) src(%arg5 : memref<32768xi32, #tpu.memory_space<vmem>>) dst(%dma_wait3A_363 : memref<32768xi32, #tpu.memory_space<hbm>>)
        tpu.yield
      }) : () -> ()
    }
    %scan3A_6 = arith.constant 4 : i32
    return
  }
}

</mosaic_0001>

<sc_bundles>
// kernel: kernel.3.cloned.1.call-start
scs
__scs_entry_jumppad:
0x0: {  	(pc) =	sbr.rel $0x88, $3  }
0x1: {  	(tag) =	ssettag $0x0;
	lr =	simm.s32 $0x1  }
0x2: {  	[smem:$0x3FA0] =	sst lr;
	_ =	strace $0xD0000000  }
0x3: {  	_ = 	snop  }
0x4: {  	_ = 	snop  }
0x5: {  	_ = 	snop  }
0x6: {  	_ = 	snop  }
0x7: {  	_ = 	snop  }
__scs_overlays_trampoline_lowered:
0x8: {  	[smem:$0x3FAF] =	sst s0  }
0x9: {  	[smem:$0x3FB0] =	sst s1  }
0xa: {  	[smem:$0x3FB1] =	sst s2  }
0xb: {  	[smem:$0x3FB2] =	sst s3  }
0xc: {  	[smem:$0x3FB3] =	sst s4  }
0xd: {  	[smem:$0x3FB4] =	sst s5  }
0xe: {  	[smem:$0x3FB5] =	sst s6  }
0xf: {  	[smem:$0x3FB6] =	sst s7  }
0x10: {  	[smem:$0x3FB7] =	sst s8  }
0x11: {  	[smem:$0x3FB8] =	sst s9;
	s0 =	simm.s32 @!p0 $0x0  }
0x12: {  	s1 =	sld [smem:$0x3F9E];
	s0 =	simm.s32 @p0 $0x1  }
0x13: {  	[smem:$0x3FB9] =	sst s0;
	s0 =	simm.s32 @!p1 $0x0  }
0x14: {  	s2 =	sld [smem:$0x3F9D];
	s0 =	simm.s32 @p1 $0x1  }
0x15: {  	[smem:$0x3FBA] =	sst s0;
	s0 =	simm.s32 @!p2 $0x0  }
0x16: {  	s3 =	sld [smem:$0x3FDB];
	s0 =	simm.s32 @p2 $0x1  }
0x17: {  	s4 =	simm.s32 $0x1BF5;
	[smem:$0x3FBC] =	sst s0  }
0x18: {  	s0 =	sld [smem:$0x3F9F];
	_ =	swait.ge [sflag:s4], $0x0  }
0x19: {  	s7 =	sld [smem:$0x3FA0]  }
0x1a: {  	s8 =	sadd.s32 $0xFFFFE003, lr  }
0x1b: {  	s9 =	sadd.s32 $0xFFFFFEF7, lr;
	s5 =	simm.s32 $0xFFFFFFFF;
	p2 =	slt.u32 s8, $0xFFFFF086  }
0x1c: {  	p1 =	slt.u32 s9, $0xF7A;
	s5 =	simm.s32 @!p2 $0x0  }
0x1d: {  	s5 =	simm.s32 @p1 $0x1;
	p0 =	seq.s32 s7, s2  }
0x1e: {  	s7 =	smul.u32 @!p0 $0xF7A, s2;
	p2 =	seq.s32 @!p0 s5, $0x0  }
0x1f: {  	s9 =	smul.u32 $0xF7A, s1;
	s8 =	simm.s32 @!p0 $0x1BF5;
	p2 =	por !p2, p0  }
0x20: {  	[sflag:s8] =	ssyncset.s32 @!p0 $0xFFFFF086;
	s6 =	sadd.s32 @!p0 s3, s7;
	s7 =	simm.s32 @!p0 $0x108  }
0x21: {  	s3 =	sadd.s32 s3, s9;
	s6 =	sadd.s32 @!p0 $0x88, s6;
	s7 =	simm.s32 @p2 $0x1082  }
0x22: {  	[simem:s7], [sflag:s8] =	dma.local @!p0 [hbm:s6], $0xF7A  }
0x23: {  	s9 =	sor.u32 $0xD0000000, s2;
	s6 =	simm.s32 $0x108;
	_ =	swait.ge @!p0 [sflag:s8], $0x0  }
0x24: {  	s3 =	sadd.s32 $0x88, s3;
	s6 =	simm.s32 @!p1 $0x1082;
	[sflag:s4] =	ssyncset.s32 $0xFFFFF086  }
0x25: {  	[simem:s6], [sflag:s4] =	dma.local [hbm:s3], $0xF7A  }
0x26: {  	[smem:$0x3FA0] =	sst s1;
	(tag) =	ssettag s2;
	_ =	strace s9  }
0x27: {  	s1 =	sld [smem:$0x3FB0]  }
0x28: {  	s2 =	sld [smem:$0x3FB1]  }
0x29: {  	s4 =	sld [smem:$0x3FB3]  }
0x2a: {  	p0 =	seq.s32 s5, $0x0;
	s5 =	sld [smem:$0x3FB4]  }
0x2b: {  	s6 =	sld [smem:$0x3FB5]  }
0x2c: {  	s7 =	sld [smem:$0x3FB6]  }
0x2d: {  	s3 =	simm.s32 $0x108;
	s8 =	sld [smem:$0x3FB7]  }
0x2e: {  	s3 =	simm.s32 @!p0 $0x1082;
	s9 =	sld [smem:$0x3FB8]  }
0x2f: {  	lr =	sadd.s32 s0, s3;
	s0 =	sld [smem:$0x3FAF]  }
0x30: {  	s3 =	sld [smem:$0x3FB2]  }
0x31: {  	[smem:$0x3FBB] =	sst s10  }
0x32: {  	s10 =	sld [smem:$0x3FB9];
	_ =	sdelay $0x3  }
0x33: {  	p0 =	seq.s32 s10, $0x1;
	s10 =	sld [smem:$0x3FBB];
	_ =	sdelay $0x3  }
0x34: {  	[smem:$0x3FBB] =	sst s10  }
0x35: {  	s10 =	sld [smem:$0x3FBA];
	_ =	sdelay $0x3  }
0x36: {  	p1 =	seq.s32 s10, $0x1;
	s10 =	sld [smem:$0x3FBB];
	_ =	sdelay $0x3  }
0x37: {  	[smem:$0x3FBB] =	sst s10  }
0x38: {  	s10 =	sld [smem:$0x3FBC]  }
0x39: {  	_ = 	snop;
	(pc) =	sbr.ind lr, $3  }
0x3a: {  	_ = 	snop  }
0x3b: {  	_ = 	snop  }
0x3c: {  	p2 =	seq.s32 s10, $0x1;
	s10 =	sld [smem:$0x3FBB]  }
0x3d: {  	_ =	shalt  }
0x3e: {  	_ =	shalt  }
0x3f: {  	_ =	shalt  }
0x40: {  	_ =	shalt  }
0x41: {  	_ =	shalt  }
0x42: {  	_ =	shalt  }
0x43: {  	_ =	shalt  }
0x44: {  	_ =	shalt  }
0x45: {  	_ =	shalt  }
0x46: {  	_ =	shalt  }
0x47: {  	_ =	shalt  }
0x48: {  	_ =	shalt  }
0x49: {  	_ =	shalt  }
0x4a: {  	_ =	shalt  }
0x4b: {  	_ =	shalt  }
0x4c: {  	_ =	shalt  }
0x4d: {  	_ =	shalt  }
0x4e: {  	_ =	shalt  }
0x4f: {  	_ =	shalt  }
0x50: {  	_ =	shalt  }
0x51: {  	_ =	shalt  }
0x52: {  	_ =	shalt  }
0x53: {  	_ =	shalt  }
0x54: {  	_ =	shalt  }
0x55: {  	_ =	shalt  }
0x56: {  	_ =	shalt  }
0x57: {  	_ =	shalt  }
0x58: {  	_ =	shalt  }
0x59: {  	_ =	shalt  }
0x5a: {  	_ =	shalt  }
0x5b: {  	_ =	shalt  }
0x5c: {  	_ =	shalt  }
0x5d: {  	_ =	shalt  }
0x5e: {  	_ =	shalt  }
0x5f: {  	_ =	shalt  }
0x60: {  	_ =	shalt  }
0x61: {  	_ =	shalt  }
0x62: {  	_ =	shalt  }
0x63: {  	_ =	shalt  }
0x64: {  	_ =	shalt  }
0x65: {  	_ =	shalt  }
0x66: {  	_ =	shalt  }
0x67: {  	_ =	shalt  }
0x68: {  	_ =	shalt  }
0x69: {  	_ =	shalt  }
0x6a: {  	_ =	shalt  }
0x6b: {  	_ =	shalt  }
0x6c: {  	_ =	shalt  }
0x6d: {  	_ =	shalt  }
0x6e: {  	_ =	shalt  }
0x6f: {  	_ =	shalt  }
0x70: {  	_ =	shalt  }
0x71: {  	_ =	shalt  }
0x72: {  	_ =	shalt  }
0x73: {  	_ =	shalt  }
0x74: {  	_ =	shalt  }
0x75: {  	_ =	shalt  }
0x76: {  	_ =	shalt  }
0x77: {  	_ =	shalt  }
0x78: {  	_ =	shalt  }
0x79: {  	_ =	shalt  }
0x7a: {  	_ =	shalt  }
0x7b: {  	_ =	shalt  }
0x7c: {  	_ =	shalt  }
0x7d: {  	_ =	shalt  }
0x7e: {  	_ =	shalt  }
0x7f: {  	_ =	shalt  }
0x80: {  	_ =	shalt  }
0x81: {  	_ =	shalt  }
0x82: {  	_ =	shalt  }
0x83: {  	_ =	shalt  }
0x84: {  	_ =	shalt  }
0x85: {  	_ =	shalt  }
0x86: {  	_ =	shalt  }
0x87: {  	_ =	shalt  }
.Lfunc_end0:
.L_simem_size_0:
called_computation_lowered:
.L_overlay_start_0:
0x88: {  	s2 =	sld [smem:$0x3FD9]  }
0x89: {  	s3 =	sld [smem:$0x3FFE];
	_ =	sdelay $0x1  }
0x8a: {  	s1 =	srdreg.scid  }
0x8b: {  	s0 =	sand.u32 $0x1, s1  }
0x8c: {  	s18 =	sshll.u32 s0, $0xA;
	s2 =	sadd.s32 s3, s2  }
0x8d: {  	s2 =	sadd.s32 s2, s18  }
0x8e: {  	[smem:$0x3FC7] =	sst s2  }
0x8f: {  	_ = 	snop  }
0x90: {  	s2 =	sld [smem:$0x3FC9]  }
0x91: {  	s19 =	sld [smem:$0x3FD0];
	(tm) =	ssettm $0x1  }
0x92: {  	s4 =	sld [smem:$0x3FFB];
	_ =	sdelay $0x3  }
0x93: {  	_ =	strace s4  }
0x94: {  	s4 =	sld [smem:$0x3FFC];
	_ =	sdelay $0x3  }
0x95: {  	_ =	strace s4  }
0x96: {  	s4 =	sld [smem:$0x3FFD];
	_ =	sdelay $0x3  }
0x97: {  	_ =	strace s4  }
0x98: {  	_ =	strace $0x8FFFFFFF  }
0x99: {  	s20 =	sld [smem:$0x3FDB];
	_ =	sdelay $0x1  }
0x9a: {  	s5 =	simm.s32 $_scs_section_size  }
0x9b: {  	s6 =	simm.s32 $_size__tile_overlayer_lowered;
	s7 =	simm.s32 $_tile_overlayer_lowered  }
0x9c: {  	s23 =	simm.s32 $0x1BFF;
	s22 =	sshll.u32 s7, $0x1;
	s4 =	sadd.s32 s5, s20  }
0x9d: {  	s8 =	simm.s32 $0x0;
	s21 =	sshll.u32 s6, $0x1;
	s6 =	sadd.s32 s22, s4  }
0x9e: {  	[timem:s8], [sflag:s23] =	dma.local [hbm:s6], s21  }
0x9f: {  	_ =	swait.ge [sflag:s23], s21  }
0xa0: {  	s5 =	ssub.s32 $0x0, s21;
	[sflag:s23] =	ssyncset.done $0x0  }
0xa1: {  	[sflag:s23] =	ssyncadd.s32 s5;
	_ =	sdelay $0x1  }
0xa2: {  	s24 =	simm.s32 $0x1B8B  }
0xa3: {  	_ =	swait.ge [sflag:s24], $0x1  }
0xa4: {  	[sflag:s24] =	ssyncset.done $0x0  }
0xa5: {  	s25 =	simm.s32 $0x1B8E;
	[sflag:s24] =	ssyncadd.s32 $0xFFFFFFFF  }
0xa6: {  	s26 =	simm.s32 $execute0_lowered;
	[smem:$0x3FD2] =	sst s25  }
0xa7: {  	s5 =	sshll.u32 s26, $0x1;
	_ =	strace $0x80000046;
	[dreg:$0x1] =	wrdreg $0xFFFFFFFF  }
0xa8: {  	s28 =	simm.s32 $_size_execute0_lowered;
	s4 =	sadd.s32 s4, s5;
	[dreg:$0x0] =	wrdreg $0x0  }
0xa9: {  	s5 =	sshll.u32 s28, $0x1;
	[dreg:$0x2] =	wrdreg s4  }
0xaa: {  	[dreg:$0x3] =	wrdreg s5  }
0xab: {  	[dreg:$0x4] =	wrdreg $0xC0  }
0xac: {  	_ =	task [dreg:s8], $0x5FFFF  }
0xad: {  	[dreg:$0x1] =	wrdreg $0xFFFFFFFF  }
0xae: {  	[dreg:$0x0] =	wrdreg $0x60  }
0xaf: {  	[dreg:$0x2] =	wrdreg s2  }
0xb0: {  	[dreg:$0x3] =	wrdreg s19  }
0xb1: {  	[dreg:$0x4] =	wrdreg $0x9  }
0xb2: {  	_ =	task.clear_ibuf [dreg:s8], $0x5FFFF;
	_ =	strace $0x90000046  }
0xb3: {  	s29 =	simm.s32 $0x9;
	_ =	strace $0x80000048  }
0xb4: {  	_ =	swait.ge [sflag:s29], $0x1  }
0xb5: {  	[sflag:s29] =	ssyncadd.s32 $0xFFFFFFFF  }
0xb6: {  	_ =	strace $0x90000048  }
0xb7: {  	_ =	sfence  }
0xb8: {  	s30 =	sld [smem:$0x0];
	_ =	sdelay $0x2  }
0xb9: {  	s31 =	sshll.u32 s1, $0xD;
	s1 =	sshrl.u32 s1, $0x2  }
0xba: {  	s3 =	sand.u32 $0x4000, s31;
	s1 =	sadd.s32 s1, s30  }
0xbb: {  	s0 =	sor.u32 s3, s0;
	s1 =	sshll.u32 s1, $0x11  }
0xbc: {  	s0 =	sor.u32 s1, s0  }
0xbd: {  	s0 =	sadd.s32 $0x8F2B, s0  }
0xbe: {  	[sflag:s0] =	ssyncadd.remote.s32 $0x1  }
0xbf: {  	_ =	sfence.sel $0xFFFF  }
0xc0: {  	[dreg:$0x0] =	wrdreg $0xFFFFFFFF;
	(pc) =	sbr.abs _section_cstart, $3  }
0xc1: {  	[dreg:$0x1] =	wrdreg $0xFFFFFFFF  }
0xc2: {  	_ =	task.clear_ibuf [dreg:s8], $0x2FFFF;
	_ =	strace $0x9FFFFFFF  }
0xc3: {  	(tm) =	ssettm $0x7FFFFFFF  }
tec
execute0_lowered:
.L_overlay_start_1:
0x0: {  	(tag) =	ssettag $0x1  }
0x1: {  	s1 =	rddreg [dreg:$0x0]  }
0x2: {  	s2 =	rddreg [dreg:$0x1]  }
0x3: {  	s3 =	srdreg.scid;
	s0 =	rddreg [dreg:$0x2]  }
0x4: {  	s4 =	simm.s32 $0x0;
	s9 =	simm.s32 $0x1;
	s10 =	simm.s32 $0x10000  }
0x5: {  	s11 =	simm.s32 $0x18000;
	s12 =	simm.s32 $0x18200;
	s13 =	simm.s32 $0x8000  }
.Ltmp0:
0x6: {  	s14 =	simm.s32 $0x0;
	s5 =	sand.u32 $0x1, s3;
	(pc) =	sbr.rel .LBB2_1-.Ltmp0, $4  }
0x7: {  	[smem:$0x7FF] =	sst s4;
	s3 =	stileid.u32;
	s6 =	ssub.s32 $0x2, s5  }
0x8: {  	s8 =	sshll.u32 s3, $0xF;
	s5 =	sshll.u32 s5, $0x6;
	s7 =	sshrl.u32 s6, $0x1  }
0x9: {  	v0 =	vimm.s32 $0x0;
	_ =	strace $0x80000047;
	s5 =	sor.u32 s8, s5;
	s6 =	ssub.s32 s6, s7  }
0xa: {  	v1 =	vimm.s32 $0x7FFFFFFF;
	v2 =	vimm.s32 $0x1;
	v3 =	vlaneseq.u32;
	s8 =	simm.s32 $0x400;
	s7 =	simm.s32 $0x80;
	s6 =	smax.u32 s6, $0x1  }
.LBB2_33:
0xb: {  	s14 =	sadd.s32 $0x1, s14  }
0xc: {  	p0 =	sne.s32 s14, s6  }
.Ltmp1:
0xd: {  	_ = 	snop;
	(pc) =	sbr.rel @!p0 .LBB2_34-.Ltmp1, $1  }
0xe: {  	_ =	sdelay $0x3  }
.LBB2_1:
0xf: {  	s15 =	simm.s32 $0x0  }
.LBB2_2:
0x10: {  	s16 =	sshll.u32 s15, $0x4  }
0x11: {  	s16 =	sadd.s32 s5, s16  }
0x12: {  	s17 =	sadd.s32 s1, s16  }
0x13: {  	[tilespmem:s4], [sflag:$0x1] =	stream.strided.gather [hbm4b:s17+s7], $0x8000, s8, s7, $0x38;
	[tilespmem:$0x18300] =	vst v63  }
0x14: {  	_ =	swait.ge [sflag:s9], $0x8000  }
0x15: {  	[sflag:s9] =	ssyncset.done $0x0  }
0x16: {  	s17 =	simm.s32 $0x10080;
	[sflag:s9] =	ssyncadd.s32 $0xFFFF8000  }
0x17: {  	[tilespmem:s17+$0xFFFFFF80] =	vst v0  }
0x18: {  	[tilespmem:s17+$0x70] =	vst v0  }
0x19: {  	[tilespmem:s17+$0x60] =	vst v0  }
0x1a: {  	[tilespmem:s17+$0x50] =	vst v0  }
0x1b: {  	[tilespmem:s17+$0x40] =	vst v0  }
0x1c: {  	[tilespmem:s17+$0x30] =	vst v0  }
0x1d: {  	[tilespmem:s17+$0x20] =	vst v0  }
0x1e: {  	[tilespmem:s17+$0x10] =	vst v0  }
0x1f: {  	[tilespmem:s17+$0x0] =	vst v0  }
0x20: {  	[tilespmem:s17+$0xFFFFFFF0] =	vst v0  }
0x21: {  	[tilespmem:s17+$0xFFFFFFE0] =	vst v0  }
0x22: {  	[tilespmem:s17+$0xFFFFFFD0] =	vst v0  }
0x23: {  	[tilespmem:s17+$0xFFFFFFC0] =	vst v0  }
0x24: {  	[tilespmem:s17+$0xFFFFFFB0] =	vst v0  }
0x25: {  	s18 =	simm.s32 $0x0;
	p0 =	por $0x1, $0x1;
	[tilespmem:s17+$0xFFFFFFA0] =	vst v0  }
.LBB2_3:
0x26: {  	s18 =	sadd.s32 $0x10, s18;
	[tilespmem:s17+$0xFFFFFF90] =	vst v0;
	s17 =	sadd.s32 $0x100, s17  }
0x27: {  	[tilespmem:s17+$0xFFFFFF80] =	vst v0;
	p1 =	slt.u32 s18, $0x7F0  }
0x28: {  	[tilespmem:s17+$0x70] =	vst v0  }
0x29: {  	[tilespmem:s17+$0x60] =	vst v0  }
0x2a: {  	[tilespmem:s17+$0x50] =	vst v0  }
0x2b: {  	[tilespmem:s17+$0x40] =	vst v0  }
0x2c: {  	[tilespmem:s17+$0x30] =	vst v0  }
0x2d: {  	[tilespmem:s17+$0x20] =	vst v0  }
0x2e: {  	[tilespmem:s17+$0x10] =	vst v0  }
0x2f: {  	[tilespmem:s17+$0x0] =	vst v0  }
0x30: {  	[tilespmem:s17+$0xFFFFFFF0] =	vst v0  }
.Ltmp2:
0x31: {  	[tilespmem:s17+$0xFFFFFFE0] =	vst v0;
	(pc) =	sbr.rel @p1 .LBB2_3-.Ltmp2, $4  }
0x32: {  	[tilespmem:s17+$0xFFFFFFD0] =	vst v0  }
0x33: {  	[tilespmem:s17+$0xFFFFFFC0] =	vst v0  }
0x34: {  	[tilespmem:s17+$0xFFFFFFB0] =	vst v0  }
0x35: {  	[tilespmem:s17+$0xFFFFFFA0] =	vst v0  }
0x36: {  	[tilespmem:s17+$0xFFFFFF90] =	vst v0;
	s17 =	simm.s32 $0x0  }
.LBB2_5:
0x37: {  	s17 =	sshra.s32 s17, $0x2  }
0x38: {  	[tilespmem:s17+$0x18000] =	vst v0  }
0x39: {  	[tilespmem:s17+$0x18010] =	vst v0  }
0x3a: {  	[tilespmem:s17+$0x18020] =	vst v0  }
0x3b: {  	[tilespmem:s17+$0x18030] =	vst v0  }
0x3c: {  	[tilespmem:s17+$0x18040] =	vst v0  }
0x3d: {  	[tilespmem:s17+$0x18050] =	vst v0  }
0x3e: {  	[tilespmem:s17+$0x18060] =	vst v0  }
0x3f: {  	[tilespmem:s17+$0x18070] =	vst v0  }
0x40: {  	[tilespmem:s17+$0x18080] =	vst v0  }
0x41: {  	[tilespmem:s17+$0x18090] =	vst v0  }
0x42: {  	p1 =	por p0, p0;
	[tilespmem:s17+$0x180A0] =	vst v0  }
.Ltmp3:
0x43: {  	[tilespmem:s17+$0x180B0] =	vst v0;
	(pc) =	sbr.rel @p1 .LBB2_5-.Ltmp3, $4  }
0x44: {  	[tilespmem:s17+$0x180C0] =	vst v0  }
0x45: {  	[tilespmem:s17+$0x180D0] =	vst v0  }
0x46: {  	[tilespmem:s17+$0x180E0] =	vst v0  }
0x47: {  	p0 =	por $0x0, $0x0;
	[tilespmem:s17+$0x180F0] =	vst v0;
	s17 =	simm.s32 $0x400  }
0x48: {  	[tilespmem:$0x18200] =	vst v0  }
0x49: {  	[tilespmem:$0x18210] =	vst v0  }
0x4a: {  	[tilespmem:$0x18220] =	vst v0  }
0x4b: {  	[tilespmem:$0x18230] =	vst v0  }
0x4c: {  	[tilespmem:$0x18240] =	vst v0  }
0x4d: {  	[tilespmem:$0x18250] =	vst v0  }
0x4e: {  	[tilespmem:$0x18260] =	vst v0  }
0x4f: {  	[tilespmem:$0x18270] =	vst v0  }
0x50: {  	[tilespmem:$0x18280] =	vst v0  }
0x51: {  	[tilespmem:$0x18290] =	vst v0  }
0x52: {  	[tilespmem:$0x182A0] =	vst v0  }
0x53: {  	[tilespmem:$0x182B0] =	vst v0  }
0x54: {  	[tilespmem:$0x182C0] =	vst v0  }
0x55: {  	[tilespmem:$0x182D0] =	vst v0  }
0x56: {  	[tilespmem:$0x182E0] =	vst v0  }
0x57: {  	[tilespmem:$0x182F0] =	vst v0;
	s18 =	simm.s32 $0x20  }
0x58: {  	v4 =	vld [tilespmem:s18+$0x0]  }
0x59: {  	v5 =	vld [tilespmem:s18+$0xFFFFFFE0]  }
0x5a: {  	v6 =	vld [tilespmem:s18+$0x10]  }
0x5b: {  	s17 =	simm.s32 $0x60;
	v7 =	vld [tilespmem:s18+$0xFFFFFFF0]  }
0x5c: {  	v18 =	vld [tilespmem:s17+$0x0]  }
0x5d: {  	v25 =	vld [tilespmem:s17+$0xFFFFFFE0]  }
0x5e: {  	v20 =	vld [tilespmem:s17+$0x10];
	_ =	sdelay $0x1  }
0x5f: {  	vm0 =	vlt.s32 v4, $0x0;
	v8 =	vshrl.u32 v4, $0x18;
	vm1 =	vlt.s32 v5, $0x0  }
0x60: {  	v9 =	vshrl.u32 v5, $0x18;
	vm10 =	vlt.s32 v6, $0x0;
	v11 =	vshrl.u32 v7, $0x18  }
0x61: {  	vm11 =	vlt.s32 v7, $0x0;
	vm12 =	vlt.s32 v18, $0x0;
	vm13 =	vlt.s32 v25, $0x0  }
0x62: {  	vm14 =	vlt.s32 v20, $0x0;
	v10 =	vsel vm1, $0x0, v1;
	v8 =	vand.u32 $0x80, v8  }
0x63: {  	v9 =	vand.u32 $0x80, v9;
	v12 =	vsel vm10, $0x0, v1;
	v13 =	vsel vm11, $0x0, v1  }
0x64: {  	v5 =	vxor.u32 v5, v10;
	v10 =	vsel vm0, $0x0, v1;
	v7 =	vxor.u32 v7, v13  }
0x65: {  	v4 =	vxor.u32 v4, v10;
	v10 =	vxor.u32 v6, v12;
	v6 =	vshrl.u32 v6, $0x18  }
0x66: {  	v12 =	vand.u32 $0x7FFF, v5;
	v19 =	vand.u32 $0x7FFF, v7;
	v21 =	vshrl.u32 v7, $0xF  }
0x67: {  	[tilespmem:s18+$0xFFFFFFE0] =	vst v5;
	v22 =	vshrl.u32 v7, $0x18;
	v23 =	vshrl.u32 v5, $0xF;
	v5 =	vshrl.u32 v5, $0x18  }
0x68: {  	[tilespmem:s18+$0xFFFFFFF0] =	vst v7;
	v14 =	vand.u32 $0x7FFF, v10;
	v15 =	vand.u32 $0x7FFF, v4;
	v16 =	vshrl.u32 v10, $0x18  }
0x69: {  	v6 =	vand.u32 $0x80, v6;
	v13 =	vshrl.u32 v4, $0xF;
	v17 =	vshrl.u32 v4, $0x18;
	[tilespmem:s18+$0x0] =	vst v4  }
0x6a: {  	v4 =	vshrl.u32 v10, $0xF;
	[tilespmem:s18+$0x10] =	vst v10;
	v10 =	vand.u32 $0x80, v11;
	v11 =	vld [tilespmem:s17+$0xFFFFFFF0];
	v13 =	vand.u32 $0x1FF, v13  }
0x6b: {  	v5 =	vand.u32 $0x7F, v5;
	v16 =	vand.u32 $0x7F, v16;
	v24 =	vand.u32 $0x1FF, v4;
	[tilespmem:v19+s10+$0x0] =	vst.idx.add.s32.msk $0xffff, v2  }
0x6c: {  	v4 =	vor.u32 v6, v16;
	v16 =	vand.u32 $0x1FF, v23;
	v6 =	vand.u32 $0x7F, v17;
	[tilespmem:v12+s10+$0x0] =	vst.idx.add.s32.msk $0xffff, v2  }
0x6d: {  	v7 =	vshrl.u32 v25, $0x18;
	v17 =	vor.u32 v9, v5;
	v8 =	vor.u32 v8, v6;
	[tilespmem:v14+s10+$0x0] =	vst.idx.add.s32.msk $0xffff, v2  }
0x6e: {  	v5 =	vshrl.u32 v18, $0x18;
	v9 =	vsel vm13, $0x0, v1;
	v6 =	vand.u32 $0x7F, v22;
	[tilespmem:v15+s10+$0x0] =	vst.idx.add.s32.msk $0xffff, v2  }
0x6f: {  	v9 =	vxor.u32 v25, v9;
	v10 =	vor.u32 v10, v6;
	v14 =	vand.u32 $0x1FF, v21;
	[tilespmem:v13+s11+$0x0] =	vst.idx.add.s32.msk $0xffff, v2  }
0x70: {  	v6 =	vand.u32 $0x80, v5;
	v5 =	vand.u32 $0x80, v7;
	v7 =	vsel vm12, $0x0, v1;
	[tilespmem:v24+s11+$0x0] =	vst.idx.add.s32.msk $0xffff, v2  }
0x71: {  	v15 =	vxor.u32 v18, v7;
	v7 =	vsel vm14, $0x0, v1;
	vm15 =	vlt.s32 v11, $0x0;
	[tilespmem:v16+s11+$0x0] =	vst.idx.add.s32.msk $0xffff, v2  }
0x72: {  	v12 =	vxor.u32 v20, v7;
	v13 =	vshrl.u32 v20, $0x18;
	v7 =	vand.u32 $0x7FFF, v9;
	[tilespmem:v8+s12+$0x0] =	vst.idx.add.s32.msk $0xffff, v2  }
0x73: {  	v18 =	vsel vm15, $0x0, v1;
	v16 =	vand.u32 $0x7FFF, v15;
	v13 =	vand.u32 $0x80, v13;
	[tilespmem:v17+s12+$0x0] =	vst.idx.add.s32.msk $0xffff, v2  }
0x74: {  	s19 =	simm.s32 $0x4;
	s20 =	simm.s32 $0xA0;
	s18 =	simm.s32 $0x10040;
	v8 =	vshrl.u32 v11, $0x18;
	v17 =	vshrl.u32 v12, $0x18;
	[tilespmem:v14+s11+$0x0] =	vst.idx.add.s32.msk $0xffff, v2;
	v14 =	vand.u32 $0x7FFF, v12  }
.LBB2_7:
0x75: {  	s19 =	sadd.s32 $0x4, s19;
	v18 =	vxor.u32 v11, v18;
	v11 =	vshrl.u32 v15, $0xF;
	v19 =	vshrl.u32 v15, $0x18;
	[tilespmem:v10+s12+$0x0] =	vst.idx.add.s32.msk $0xffff, v2  }
0x76: {  	v10 =	vand.u32 $0x7F, v17;
	v20 =	vld [tilespmem:s20+$0x0];
	p0 =	slt.u32 s19, $0x7FC;
	[tilespmem:s17+$0xFFFFFFE0] =	vst v9;
	v21 =	vand.u32 $0x7FFF, v18;
	v22 =	vand.u32 $0x1FF, v11  }
0x77: {  	v11 =	vshrl.u32 v18, $0xF;
	v23 =	vshrl.u32 v18, $0x18;
	v17 =	vld [tilespmem:s20+$0x10];
	[tilespmem:s17+$0x0] =	vst v15;
	v15 =	vshrl.u32 v12, $0xF  }
0x78: {  	v24 =	vshrl.u32 v9, $0xF;
	v25 =	vand.u32 $0x1FF, v15;
	[tilespmem:v4+s12+$0x0] =	vst.idx.add.s32.msk $0xffff, v2;
	v4 =	vor.u32 v13, v10  }
0x79: {  	v24 =	vand.u32 $0x1FF, v24;
	v9 =	vshrl.u32 v9, $0x18;
	v26 =	vand.u32 $0x1FF, v11;
	v13 =	vld [tilespmem:s20+$0xFFFFFFE0];
	[tilespmem:s17+$0x10] =	vst v12  }
0x7a: {  	v8 =	vand.u32 $0x80, v8;
	v11 =	vand.u32 $0x7F, v19;
	v10 =	vand.u32 $0x7F, v23;
	[tilespmem:v14+s10+$0x0] =	vst.idx.add.s32.msk $0xffff, v2  }
0x7b: {  	v9 =	vand.u32 $0x7F, v9;
	v10 =	vor.u32 v8, v10;
	v8 =	vor.u32 v6, v11;
	[tilespmem:v16+s10+$0x0] =	vst.idx.add.s32.msk $0xffff, v2  }
0x7c: {  	v16 =	vor.u32 v5, v9;
	v11 =	vld [tilespmem:s20+$0xFFFFFFF0];
	[tilespmem:s17+$0xFFFFFFF0] =	vst v18;
	s17 =	smov.u32 s20  }
0x7d: {  	vm0 =	vlt.s32 v20, $0x0;
	v5 =	vshrl.u32 v20, $0x18;
	[tilespmem:v21+s10+$0x0] =	vst.idx.add.s32.msk $0xffff, v2  }
0x7e: {  	vm1 =	vlt.s32 v13, $0x0;
	v12 =	vshrl.u32 v13, $0x18;
	[tilespmem:v22+s11+$0x0] =	vst.idx.add.s32.msk $0xffff, v2  }
0x7f: {  	v6 =	vand.u32 $0x80, v5;
	v9 =	vsel vm1, $0x0, v1;
	vm1 =	vlt.s32 v17, $0x0;
	[tilespmem:v7+s10+$0x0] =	vst.idx.add.s32.msk $0xffff, v2  }
.Ltmp4:
0x80: {  	v5 =	vand.u32 $0x80, v12;
	v7 =	vsel vm0, $0x0, v1;
	v9 =	vxor.u32 v13, v9;
	[tilespmem:v8+s12+$0x0] =	vst.idx.add.s32.msk $0xffff, v2;
	(pc) =	sbr.rel @p0 .LBB2_7-.Ltmp4, $4  }
0x81: {  	v15 =	vxor.u32 v20, v7;
	v7 =	vsel vm1, $0x0, v1;
	v8 =	vshrl.u32 v11, $0x18;
	[tilespmem:v26+s11+$0x0] =	vst.idx.add.s32.msk $0xffff, v2  }
0x82: {  	v13 =	vshrl.u32 v17, $0x18;
	vm0 =	vlt.s32 v11, $0x0;
	v12 =	vxor.u32 v17, v7;
	[tilespmem:v24+s11+$0x0] =	vst.idx.add.s32.msk $0xffff, v2  }
0x83: {  	v7 =	vand.u32 $0x7FFF, v9;
	v18 =	vsel vm0, $0x0, v1;
	v14 =	vand.u32 $0x7FFF, v12;
	[tilespmem:v16+s12+$0x0] =	vst.idx.add.s32.msk $0xffff, v2  }
0x84: {  	s20 =	sadd.s32 $0x40, s20;
	v13 =	vand.u32 $0x80, v13;
	v17 =	vshrl.u32 v12, $0x18;
	v16 =	vand.u32 $0x7FFF, v15;
	[tilespmem:v25+s11+$0x0] =	vst.idx.add.s32.msk $0xffff, v2  }
0x85: {  	_ =	sdelay $0x3  }
0x86: {  	[tilespmem:v10+s12+$0x0] =	vst.idx.add.s32.msk $0xffff, v2  }
0x87: {  	[tilespmem:s17+$0xFFFFFFE0] =	vst v9  }
0x88: {  	[tilespmem:s17+$0x0] =	vst v15  }
0x89: {  	v10 =	vxor.u32 v11, v18;
	[tilespmem:v4+s12+$0x0] =	vst.idx.add.s32.msk $0xffff, v2  }
0x8a: {  	v11 =	vshrl.u32 v15, $0xF;
	v4 =	vshrl.u32 v15, $0x18;
	[tilespmem:s17+$0x10] =	vst v12;
	v18 =	vand.u32 $0x7FFF, v10  }
0x8b: {  	v11 =	vand.u32 $0x1FF, v11;
	v4 =	vand.u32 $0x7F, v4;
	[tilespmem:v14+s10+$0x0] =	vst.idx.add.s32.msk $0xffff, v2  }
0x8c: {  	v8 =	vand.u32 $0x80, v8;
	v14 =	vshrl.u32 v10, $0xF;
	[tilespmem:v16+s10+$0x0] =	vst.idx.add.s32.msk $0xffff, v2;
	v4 =	vor.u32 v6, v4  }
0x8d: {  	[tilespmem:s17+$0xFFFFFFF0] =	vst v10;
	v10 =	vshrl.u32 v10, $0x18;
	v6 =	vshrl.u32 v9, $0xF;
	v14 =	vand.u32 $0x1FF, v14  }
0x8e: {  	[tilespmem:v7+s10+$0x0] =	vst.idx.add.s32.msk $0xffff, v2;
	v9 =	vshrl.u32 v9, $0x18;
	v10 =	vand.u32 $0x7F, v10;
	v6 =	vand.u32 $0x1FF, v6  }
0x8f: {  	v9 =	vand.u32 $0x7F, v9;
	v8 =	vor.u32 v8, v10;
	[tilespmem:v18+s10+$0x0] =	vst.idx.add.s32.msk $0xffff, v2  }
0x90: {  	v12 =	vshrl.u32 v12, $0xF;
	v5 =	vor.u32 v5, v9;
	[tilespmem:v11+s11+$0x0] =	vst.idx.add.s32.msk $0xffff, v2  }
0x91: {  	v7 =	vand.u32 $0x7F, v17;
	v9 =	vand.u32 $0x1FF, v12;
	[tilespmem:v4+s12+$0x0] =	vst.idx.add.s32.msk $0xffff, v2  }
0x92: {  	v4 =	vor.u32 v13, v7;
	[tilespmem:v14+s11+$0x0] =	vst.idx.add.s32.msk $0xffff, v2  }
0x93: {  	[tilespmem:v6+s11+$0x0] =	vst.idx.add.s32.msk $0xffff, v2  }
0x94: {  	[tilespmem:v8+s12+$0x0] =	vst.idx.add.s32.msk $0xffff, v2  }
0x95: {  	[tilespmem:v5+s12+$0x0] =	vst.idx.add.s32.msk $0xffff, v2  }
0x96: {  	[tilespmem:v9+s11+$0x0] =	vst.idx.add.s32.msk $0xffff, v2  }
0x97: {  	[tilespmem:v4+s12+$0x0] =	vst.idx.add.s32.msk $0xffff, v2  }
0x98: {  	v14 =	vld [tilespmem:s18+$0xFFFFFFC0]  }
0x99: {  	v4 =	vld [tilespmem:s18+$0xFFFFFFD0]  }
0x9a: {  	v5 =	vld [tilespmem:s18+$0xFFFFFFE0]  }
0x9b: {  	v6 =	vld [tilespmem:s18+$0xFFFFFFF0]  }
0x9c: {  	v7 =	vld [tilespmem:s18+$0x0]  }
0x9d: {  	p2 =	por $0x1, $0x1;
	v8 =	vld [tilespmem:s18+$0x10];
	(xrf0) =	vadd.scan.msk.s32 $0xffff, v14  }
.Ltmp5:
0x9e: {  	(xrf0) =	vadd.scan.msk.s32 $0xffff, v4;
	(pc) =	sbr.rel @!p2 .LBB2_9-.Ltmp5, $4  }
0x9f: {  	(xrf0) =	vadd.scan.msk.s32 $0xffff, v5  }
0xa0: {  	(xrf0) =	vadd.scan.msk.s32 $0xffff, v6  }
0xa1: {  	v9 =	vld [tilespmem:s18+$0x20];
	(xrf0) =	vadd.scan.msk.s32 $0xffff, v7  }
0xa2: {  	p1 =	por $0x0, $0x0;
	p0 =	por $0x0, $0x0;
	s17 =	simm.s32 $0x0;
	v10 =	vld [tilespmem:s18+$0x30];
	(xrf0) =	vadd.scan.msk.s32 $0xffff, v8  }
0xa3: {  	s19 =	simm.s32 $0x100C0  }
0xa4: {  	v13 =	vld [tilespmem:s19+$0xFFFFFFC0]  }
0xa5: {  	v15 =	vld [tilespmem:s19+$0xFFFFFFD0]  }
0xa6: {  	v24, _, _ =	vpop (xrf0);
	v12 =	vld [tilespmem:s19+$0xFFFFFFE0];
	(xrf0) =	vadd.scan.msk.s32 $0xffff, v9  }
0xa7: {  	(v2sf) =	vpush v24, $0xF;
	v11, _, _ =	vpop (xrf0);
	v21 =	vld [tilespmem:s19+$0xFFFFFFF0];
	(xrf0) =	vadd.scan.msk.s32 $0xffff, v10  }
0xa8: {  	v20 =	vld [tilespmem:s19+$0x0];
	(v2sf) =	vpush v11, $0xF;
	v17, _, _ =	vpop (xrf0)  }
0xa9: {  	p2 =	por $0x1, $0x1;
	v19 =	vld [tilespmem:s19+$0x10];
	(v2sf) =	vpush v17, $0xF;
	v22, _, _ =	vpop (xrf0);
	(xrf0) =	vadd.scan.msk.s32 $0xffff, v13  }
.Ltmp6:
0xaa: {  	(v2sf) =	vpush v22, $0xF;
	v23, _, _ =	vpop (xrf0);
	(xrf0) =	vadd.scan.msk.s32 $0xffff, v15;
	(pc) =	sbr.rel @!p2 .LBB2_11-.Ltmp6, $4  }
0xab: {  	v16 =	vsub.s32 v11, v4;
	(v2sf) =	vpush v23, $0xF;
	v4, _, _ =	vpop (xrf0);
	(xrf0) =	vadd.scan.msk.s32 $0xffff, v12  }
0xac: {  	v18 =	vsub.s32 v17, v5;
	v29 =	vsub.s32 v22, v6;
	(v2sf) =	vpush v4, $0xF;
	v5, _, _ =	vpop (xrf0);
	(xrf0) =	vadd.scan.msk.s32 $0xffff, v21  }
0xad: {  	v31 =	vld [tilespmem:s19+$0x20];
	v30 =	vsub.s32 v23, v7;
	v27 =	vsub.s32 v4, v8;
	(v2sf) =	vpush v5, $0xF;
	v4, _, _ =	vpop (xrf0);
	(xrf0) =	vadd.scan.msk.s32 $0xffff, v20  }
0xae: {  	p1 =	por $0x1, $0x1;
	v34 =	vld [tilespmem:s19+$0x30];
	v28 =	vsub.s32 v5, v9;
	v11 =	vsub.s32 v4, v10;
	(v2sf) =	vpush v4, $0xF;
	(xrf0) =	vadd.scan.msk.s32 $0xffff, v19  }
0xaf: {  	_ =	sdelay $0x3  }
0xb0: {  	v17, _, _ =	vpop (xrf0);
	v7 =	vsub.s32 s17, v14;
	(xrf0) =	vadd.scan.msk.s32 $0xffff, v31  }
0xb1: {  	s20 =	simm.s32 $0x10140;
	(v2sf) =	vpush v17, $0xF;
	v6, _, _ =	vpop (xrf0)  }
0xb2: {  	v26 =	vld [tilespmem:s20+$0xFFFFFFC0];
	v9 =	vadd.s32 v24, v7;
	(v2sf) =	vpush v6, $0xF;
	v8, _, _ =	vpop (xrf0);
	(xrf0) =	vadd.scan.msk.s32 $0xffff, v34  }
0xb3: {  	v4 =	vld [tilespmem:s20+$0xFFFFFFD0];
	(v2sf) =	vpush v8, $0xF;
	v7, _, _ =	vpop (xrf0);
	s21 =	spop (v2sf)  }
0xb4: {  	v5 =	vld [tilespmem:s20+$0xFFFFFFE0];
	v23 =	vsub.s32 v8, v12;
	(v2sf) =	vpush v7, $0xF;
	v8, _, _ =	vpop (xrf0);
	s21 =	sadd.s32 $0x0, s21;
	s22 =	spop (v2sf)  }
0xb5: {  	v25 =	vsub.s32 v6, v15;
	v6 =	vld [tilespmem:s20+$0xFFFFFFF0];
	[tilespmem:s18+$0xFFFFFFC0] =	vst v9;
	v22 =	vsub.s32 v7, v21;
	(v2sf) =	vpush v8, $0xF;
	v9, _, _ =	vpop (xrf0);
	s22 =	sadd.s32 s21, s22;
	s23 =	spop (v2sf)  }
0xb6: {  	v7 =	vld [tilespmem:s20+$0x0];
	v20 =	vsub.s32 v8, v20;
	v21 =	vsub.s32 v9, v19;
	(v2sf) =	vpush v9, $0xF;
	v9, _, _ =	vpop (xrf0);
	s23 =	sadd.s32 s22, s23;
	s24 =	spop (v2sf)  }
0xb7: {  	p3 =	por $0x1, $0x1;
	v8 =	vld [tilespmem:s20+$0x10];
	(xrf0) =	vadd.scan.msk.s32 $0xffff, v26;
	v19 =	vsub.s32 v9, v31;
	(v2sf) =	vpush v9, $0xF;
	s26 =	sadd.s32 s23, s24;
	v9 =	vadd.s32 s23, v29  }
.Ltmp7:
0xb8: {  	(xrf0) =	vadd.scan.msk.s32 $0xffff, v4;
	v12 =	vadd.s32 s21, v16;
	v16, _, _ =	vpop (xrf0);
	[tilespmem:s18+$0xFFFFFFF0] =	vst v9;
	v10 =	vadd.s32 s26, v30;
	v9 =	vld [tilespmem:s20+$0x20];
	(pc) =	sbr.rel @!p3 .LBB2_13-.Ltmp7, $4  }
0xb9: {  	(xrf0) =	vadd.scan.msk.s32 $0xffff, v5;
	s28 =	spop (v2sf);
	(v2sf) =	vpush v16, $0xF;
	[tilespmem:s18+$0x0] =	vst v10;
	v10 =	vld [tilespmem:s20+$0x30]  }
0xba: {  	p2 =	por $0x1, $0x1;
	(xrf0) =	vadd.scan.msk.s32 $0xffff, v6;
	s29 =	sadd.s32 s26, s28;
	s30 =	spop (v2sf)  }
0xbb: {  	v15 =	vadd.s32 s22, v18;
	s22 =	simm.s32 $0x10;
	(xrf0) =	vadd.scan.msk.s32 $0xffff, v7;
	s24 =	sadd.s32 s29, s30;
	s31 =	spop (v2sf);
	v18 =	vadd.s32 s29, v27  }
0xbc: {  	v14 =	vsub.s32 v16, v34;
	(xrf0) =	vadd.scan.msk.s32 $0xffff, v8;
	s21 =	sadd.s32 s24, s31;
	[tilespmem:s18+$0x10] =	vst v18;
	v31 =	vadd.s32 s24, v28;
	s23 =	spop (v2sf);
	s24 =	simm.s32 $0x10140  }
.LBB2_14:
0xbd: {  	s22 =	sadd.s32 $0x8, s22;
	s24 =	sadd.s32 $0x80, s24;
	v16, _, _ =	vpop (xrf0);
	(xrf0) =	vadd.scan.msk.s32 $0xffff, v9;
	[tilespmem:s18+$0x20] =	vst v31;
	v18 =	vadd.s32 s21, v11;
	s21 =	sadd.s32 s21, s23;
	v11 =	vmov v14  }
0xbe: {  	v24 =	vld [tilespmem:s24+$0xFFFFFFC0];
	p3 =	slt.u32 s22, $0x7F8;
	(v2sf) =	vpush v16, $0xF;
	v14, _, _ =	vpop (xrf0);
	(xrf0) =	vadd.scan.msk.s32 $0xffff, v10;
	v13 =	vsub.s32 s21, v13;
	[tilespmem:s18+$0x30] =	vst v18  }
0xbf: {  	v18 =	vsub.s32 v14, v4;
	v4 =	vld [tilespmem:s24+$0xFFFFFFD0];
	(v2sf) =	vpush v14, $0xF;
	v14, _, _ =	vpop (xrf0);
	v28 =	vadd.s32 v17, v13;
	[tilespmem:s18+$0xFFFFFFE0] =	vst v15  }
0xc0: {  	v17 =	vmov v16;
	v27 =	vsub.s32 v14, v5;
	v5 =	vld [tilespmem:s24+$0xFFFFFFE0];
	(v2sf) =	vpush v14, $0xF;
	v14, _, _ =	vpop (xrf0);
	[tilespmem:s18+$0xFFFFFFD0] =	vst v12;
	s18 =	smov.u32 s19;
	s19 =	smov.u32 s20;
	s20 =	smov.u32 s24  }
0xc1: {  	v16 =	vsub.s32 v14, v6;
	v6 =	vld [tilespmem:s24+$0xFFFFFFF0];
	(v2sf) =	vpush v14, $0xF;
	v12, _, _ =	vpop (xrf0);
	[tilespmem:s18+$0xFFFFFFC0] =	vst v28;
	s23 =	spop (v2sf);
	v13 =	vmov v26  }
0xc2: {  	v28 =	vsub.s32 v12, v7;
	v7 =	vld [tilespmem:s24+$0x0];
	(v2sf) =	vpush v12, $0xF;
	v12, _, _ =	vpop (xrf0);
	s21 =	sadd.s32 s21, s23;
	s23 =	spop (v2sf)  }
0xc3: {  	(xrf0) =	vadd.scan.msk.s32 $0xffff, v24;
	v29 =	vsub.s32 v12, v8;
	v8 =	vld [tilespmem:s24+$0x10];
	(v2sf) =	vpush v12, $0xF;
	v14, _, _ =	vpop (xrf0);
	v12 =	vadd.s32 s21, v25;
	s21 =	sadd.s32 s21, s23;
	s23 =	spop (v2sf)  }
.Ltmp8:
0xc4: {  	(xrf0) =	vadd.scan.msk.s32 $0xffff, v4;
	v30 =	vsub.s32 v14, v9;
	v9 =	vld [tilespmem:s24+$0x20];
	(v2sf) =	vpush v14, $0xF;
	v25, _, _ =	vpop (xrf0);
	v15 =	vadd.s32 s21, v23;
	s21 =	sadd.s32 s21, s23;
	s23 =	spop (v2sf);
	(pc) =	sbr.rel @p3 .LBB2_14-.Ltmp8, $4  }
0xc5: {  	v26 =	vmovc v24;
	(xrf0) =	vadd.scan.msk.s32 $0xffff, v5;
	v14 =	vsub.s32 v25, v10;
	v10 =	vld [tilespmem:s24+$0x30];
	(v2sf) =	vpush v25, $0xF;
	v31 =	vadd.s32 s21, v22;
	s21 =	sadd.s32 s21, s23;
	s23 =	spop (v2sf)  }
0xc6: {  	v23 =	vmovc v27;
	v25 =	vmov v18;
	(xrf0) =	vadd.scan.msk.s32 $0xffff, v6;
	[tilespmem:s18+$0xFFFFFFF0] =	vst v31;
	v24 =	vadd.s32 s21, v20;
	s21 =	sadd.s32 s21, s23;
	s23 =	spop (v2sf)  }
0xc7: {  	v22 =	vmovc v16;
	v20 =	vmov v28;
	(xrf0) =	vadd.scan.msk.s32 $0xffff, v7;
	[tilespmem:s18+$0x0] =	vst v24;
	v18 =	vadd.s32 s21, v21;
	s21 =	sadd.s32 s21, s23;
	s23 =	spop (v2sf)  }
0xc8: {  	v21 =	vmovc v29;
	(xrf0) =	vadd.scan.msk.s32 $0xffff, v8;
	[tilespmem:s18+$0x10] =	vst v18;
	v31 =	vadd.s32 s21, v19;
	s21 =	sadd.s32 s21, s23;
	s23 =	spop (v2sf);
	v19 =	vmov v30  }
0xc9: {  	v33 =	vmov v11  }
0xca: {  	v11 =	vmovc v14;
	v32 =	vmovc v13;
	v24 =	vmov v17;
	v14 =	vmov v26;
	v16 =	vmov v25  }
0xcb: {  	s22 =	smov.u32 s18;
	s18 =	smov.u32 s20;
	v18 =	vmovc v23;
	v29 =	vmovc v22;
	v30 =	vmov v20;
	v27 =	vmov v21;
	v28 =	vmov v19  }
.LBB2_16:
0xcc: {  	v13, _, _ =	vpop (xrf0)  }
0xcd: {  	(xrf0) =	vadd.scan.msk.s32 $0xffff, v9;
	(v2sf) =	vpush v13, $0xF;
	v17, _, _ =	vpop (xrf0)  }
0xce: {  	(v2sf) =	vpush v17, $0xF;
	v19, _, _ =	vpop (xrf0)  }
0xcf: {  	(v2sf) =	vpush v19, $0xF;
	v20, _, _ =	vpop (xrf0)  }
0xd0: {  	(v2sf) =	vpush v20, $0xF  }
0xd1: {  	s20 =	sadd.s32 @p2 s21, s23;
	s23 =	simm.s32 $0x0;
	v21, _, _ =	vpop (xrf0)  }
0xd2: {  	s23 =	smov.u32 @p2 s20;
	s20 =	spop @p1 (v2sf);
	(v2sf) =	vpush v21, $0xF;
	v22, _, _ =	vpop (xrf0)  }
0xd3: {  	[tilespmem:s22+$0x20] =	vst @p2 v31;
	s20 =	sadd.s32 @p1 s23, s20;
	s24 =	spop @p1 (v2sf);
	(v2sf) =	vpush v22, $0xF;
	v23, _, _ =	vpop (xrf0)  }
0xd4: {  	v25 =	vadd.s32 @p2 s21, v33;
	[tilespmem:s22+$0xFFFFFFE0] =	vst @p2 v15;
	s25 =	spop @p1 (v2sf);
	s21 =	sadd.s32 @p1 s20, s24;
	(v2sf) =	vpush v23, $0xF  }
0xd5: {  	[tilespmem:s22+$0xFFFFFFD0] =	vst @p2 v12;
	v15 =	vsub.s32 @p1 s23, v32;
	s24 =	sadd.s32 @p1 s21, s25;
	s25 =	spop @p1 (v2sf)  }
0xd6: {  	[tilespmem:s22+$0x30] =	vst @p2 v25;
	v15 =	vadd.s32 @p1 v24, v15;
	s23 =	sadd.s32 @p1 s24, s25;
	s25 =	spop @p1 (v2sf)  }
0xd7: {  	[tilespmem:s19+$0xFFFFFFC0] =	vst @p1 v15;
	v12 =	vadd.s32 @p1 s24, v29;
	s22 =	sadd.s32 @p1 s23, s25;
	s25 =	spop @p1 (v2sf)  }
0xd8: {  	[tilespmem:s19+$0xFFFFFFF0] =	vst @p1 v12;
	v12 =	vadd.s32 @p1 s23, v30;
	s24 =	sadd.s32 @p1 s22, s25;
	s25 =	spop @p1 (v2sf)  }
0xd9: {  	v15 =	vadd.s32 @p1 s22, v27;
	[tilespmem:s19+$0x0] =	vst @p1 v12;
	s23 =	sadd.s32 @p1 s24, s25;
	s25 =	spop @p1 (v2sf);
	v12 =	vadd.s32 @p1 s24, v28  }
0xda: {  	[tilespmem:s19+$0x10] =	vst @p1 v15;
	s19 =	smov.u32 @p1 s19;
	v15 =	vadd.s32 @p1 s21, v18;
	s22 =	smov.u32 @p1 s23;
	s23 =	smov.u32 @p1 s25;
	v12 =	vpsel p1, v12, v0  }
0xdb: {  	v11 =	vpsel p1, v11, v0;
	(xrf0) =	vadd.scan.msk.s32 $0xffff, v10;
	s24 =	simm.s32 $0x0;
	v15 =	vpsel p1, v15, v0;
	s23 =	sadd.s32 @p1 s22, s23;
	[tilespmem:s19+$0x20] =	vst @p1 v12  }
0xdc: {  	v11 =	vadd.s32 @p1 s22, v11;
	v12 =	vadd.s32 @p1 s20, v16;
	[tilespmem:s19+$0xFFFFFFE0] =	vst @p1 v15;
	s24 =	smov.u32 @p1 s23;
	s30 =	spop (v2sf)  }
0xdd: {  	[tilespmem:s19+$0x30] =	vst @p1 v11;
	v11 =	vpsel p1, v12, v0;
	v12 =	vsub.s32 s24, v14;
	s31 =	sadd.s32 s24, s30;
	s23 =	spop (v2sf)  }
0xde: {  	v4 =	vsub.s32 v17, v4;
	[tilespmem:s19+$0xFFFFFFD0] =	vst @p1 v11;
	v12 =	vadd.s32 v13, v12;
	s21 =	sadd.s32 s31, s23;
	s24 =	spop (v2sf)  }
0xdf: {  	v6 =	vsub.s32 v20, v6;
	[tilespmem:s18+$0xFFFFFFC0] =	vst v12;
	v4 =	vadd.s32 s31, v4;
	s25 =	sadd.s32 s21, s24;
	s26 =	spop (v2sf)  }
0xe0: {  	v5 =	vsub.s32 v19, v5;
	v7 =	vsub.s32 v21, v7;
	[tilespmem:s18+$0xFFFFFFD0] =	vst v4;
	v6 =	vadd.s32 s25, v6;
	s19 =	sadd.s32 s25, s26  }
0xe1: {  	v5 =	vadd.s32 s21, v5;
	s28 =	spop (v2sf);
	[tilespmem:s18+$0xFFFFFFF0] =	vst v6;
	v6 =	vadd.s32 s19, v7;
	v7 =	vsub.s32 v23, v9;
	v9, _, _ =	vpop (xrf0)  }
0xe2: {  	v8 =	vsub.s32 v22, v8;
	[tilespmem:s18+$0xFFFFFFE0] =	vst v5;
	s19 =	sadd.s32 s19, s28;
	s29 =	spop (v2sf);
	(v2sf) =	vpush v9, $0xF  }
0xe3: {  	[tilespmem:s18+$0x0] =	vst v6;
	v6 =	vadd.s32 s19, v8;
	s19 =	sadd.s32 s19, s29;
	s30 =	spop (v2sf)  }
0xe4: {  	v8 =	vsub.s32 v9, v10;
	[tilespmem:s18+$0x10] =	vst v6;
	v6 =	vadd.s32 s19, v7;
	s19 =	sadd.s32 s19, s30  }
0xe5: {  	[tilespmem:s18+$0x20] =	vst v6;
	v6 =	vadd.s32 s19, v8  }
0xe6: {  	s19 =	simm.s32 $0x18040;
	[tilespmem:s18+$0x30] =	vst v6  }
0xe7: {  	v14 =	vld [tilespmem:s19+$0xFFFFFFC0]  }
0xe8: {  	v4 =	vld [tilespmem:s19+$0xFFFFFFD0]  }
0xe9: {  	v5 =	vld [tilespmem:s19+$0xFFFFFFE0]  }
0xea: {  	v6 =	vld [tilespmem:s19+$0xFFFFFFF0]  }
0xeb: {  	v7 =	vld [tilespmem:s19+$0x0]  }
0xec: {  	p1 =	por $0x1, $0x1;
	v8 =	vld [tilespmem:s19+$0x10];
	(xrf0) =	vadd.scan.msk.s32 $0xffff, v14  }
.Ltmp9:
0xed: {  	(xrf0) =	vadd.scan.msk.s32 $0xffff, v4;
	(pc) =	sbr.rel @!p1 .LBB2_17-.Ltmp9, $4  }
0xee: {  	(xrf0) =	vadd.scan.msk.s32 $0xffff, v5  }
0xef: {  	(xrf0) =	vadd.scan.msk.s32 $0xffff, v6  }
0xf0: {  	v9 =	vld [tilespmem:s19+$0x20];
	(xrf0) =	vadd.scan.msk.s32 $0xffff, v7  }
0xf1: {  	v10 =	vld [tilespmem:s19+$0x30];
	(xrf0) =	vadd.scan.msk.s32 $0xffff, v8;
	s31 =	spop (v2sf)  }
0xf2: {  	s18 =	simm.s32 $0x180C0  }
0xf3: {  	v13 =	vld [tilespmem:s18+$0xFFFFFFC0]  }
0xf4: {  	v15 =	vld [tilespmem:s18+$0xFFFFFFD0]  }
0xf5: {  	v24, _, _ =	vpop (xrf0);
	v12 =	vld [tilespmem:s18+$0xFFFFFFE0];
	(xrf0) =	vadd.scan.msk.s32 $0xffff, v9  }
0xf6: {  	(v2sf) =	vpush v24, $0xF;
	v11, _, _ =	vpop (xrf0);
	v21 =	vld [tilespmem:s18+$0xFFFFFFF0];
	(xrf0) =	vadd.scan.msk.s32 $0xffff, v10  }
0xf7: {  	v20 =	vld [tilespmem:s18+$0x0];
	(v2sf) =	vpush v11, $0xF;
	v17, _, _ =	vpop (xrf0)  }
0xf8: {  	p2 =	por $0x1, $0x1;
	v19 =	vld [tilespmem:s18+$0x10];
	(v2sf) =	vpush v17, $0xF;
	v22, _, _ =	vpop (xrf0);
	(xrf0) =	vadd.scan.msk.s32 $0xffff, v13  }
.Ltmp10:
0xf9: {  	(v2sf) =	vpush v22, $0xF;
	v23, _, _ =	vpop (xrf0);
	(xrf0) =	vadd.scan.msk.s32 $0xffff, v15;
	(pc) =	sbr.rel @!p2 .LBB2_19-.Ltmp10, $4  }
0xfa: {  	v16 =	vsub.s32 v11, v4;
	(v2sf) =	vpush v23, $0xF;
	v4, _, _ =	vpop (xrf0);
	(xrf0) =	vadd.scan.msk.s32 $0xffff, v12  }
0xfb: {  	v18 =	vsub.s32 v17, v5;
	v29 =	vsub.s32 v22, v6;
	(v2sf) =	vpush v4, $0xF;
	v5, _, _ =	vpop (xrf0);
	(xrf0) =	vadd.scan.msk.s32 $0xffff, v21  }
0xfc: {  	v31 =	vld [tilespmem:s18+$0x20];
	v30 =	vsub.s32 v23, v7;
	v27 =	vsub.s32 v4, v8;
	(v2sf) =	vpush v5, $0xF;
	v4, _, _ =	vpop (xrf0);
	(xrf0) =	vadd.scan.msk.s32 $0xffff, v20  }
0xfd: {  	p1 =	por $0x1, $0x1;
	v34 =	vld [tilespmem:s18+$0x30];
	v28 =	vsub.s32 v5, v9;
	v11 =	vsub.s32 v4, v10;
	(v2sf) =	vpush v4, $0xF;
	(xrf0) =	vadd.scan.msk.s32 $0xffff, v19  }
0xfe: {  	_ =	sdelay $0x3  }
0xff: {  	v17, _, _ =	vpop (xrf0);
	v7 =	vsub.s32 s17, v14;
	(xrf0) =	vadd.scan.msk.s32 $0xffff, v31  }
0x100: {  	s20 =	simm.s32 $0x18140;
	(v2sf) =	vpush v17, $0xF;
	v6, _, _ =	vpop (xrf0)  }
0x101: {  	v26 =	vld [tilespmem:s20+$0xFFFFFFC0];
	v9 =	vadd.s32 v24, v7;
	(v2sf) =	vpush v6, $0xF;
	v8, _, _ =	vpop (xrf0);
	(xrf0) =	vadd.scan.msk.s32 $0xffff, v34  }
0x102: {  	v4 =	vld [tilespmem:s20+$0xFFFFFFD0];
	(v2sf) =	vpush v8, $0xF;
	v7, _, _ =	vpop (xrf0);
	s21 =	spop (v2sf)  }
0x103: {  	v5 =	vld [tilespmem:s20+$0xFFFFFFE0];
	v23 =	vsub.s32 v8, v12;
	(v2sf) =	vpush v7, $0xF;
	v8, _, _ =	vpop (xrf0);
	s21 =	sadd.s32 $0x0, s21;
	s22 =	spop (v2sf)  }
0x104: {  	v25 =	vsub.s32 v6, v15;
	v6 =	vld [tilespmem:s20+$0xFFFFFFF0];
	[tilespmem:s19+$0xFFFFFFC0] =	vst v9;
	v22 =	vsub.s32 v7, v21;
	(v2sf) =	vpush v8, $0xF;
	v9, _, _ =	vpop (xrf0);
	s22 =	sadd.s32 s21, s22;
	s23 =	spop (v2sf)  }
0x105: {  	v7 =	vld [tilespmem:s20+$0x0];
	v20 =	vsub.s32 v8, v20;
	v21 =	vsub.s32 v9, v19;
	(v2sf) =	vpush v9, $0xF;
	v9, _, _ =	vpop (xrf0);
	s23 =	sadd.s32 s22, s23;
	s24 =	spop (v2sf)  }
0x106: {  	p2 =	por $0x1, $0x1;
	v8 =	vld [tilespmem:s20+$0x10];
	(xrf0) =	vadd.scan.msk.s32 $0xffff, v26;
	v19 =	vsub.s32 v9, v31;
	(v2sf) =	vpush v9, $0xF;
	s26 =	sadd.s32 s23, s24;
	v9 =	vadd.s32 s23, v29  }
.Ltmp11:
0x107: {  	(xrf0) =	vadd.scan.msk.s32 $0xffff, v4;
	v12 =	vadd.s32 s21, v16;
	v16, _, _ =	vpop (xrf0);
	[tilespmem:s19+$0xFFFFFFF0] =	vst v9;
	v10 =	vadd.s32 s26, v30;
	v9 =	vld [tilespmem:s20+$0x20];
	(pc) =	sbr.rel @!p2 .LBB2_21-.Ltmp11, $4  }
0x108: {  	(xrf0) =	vadd.scan.msk.s32 $0xffff, v5;
	s28 =	spop (v2sf);
	(v2sf) =	vpush v16, $0xF;
	[tilespmem:s19+$0x0] =	vst v10;
	v10 =	vld [tilespmem:s20+$0x30]  }
0x109: {  	p0 =	por $0x1, $0x1;
	(xrf0) =	vadd.scan.msk.s32 $0xffff, v6;
	s29 =	sadd.s32 s26, s28;
	s30 =	spop (v2sf)  }
0x10a: {  	v15 =	vadd.s32 s22, v18;
	s22 =	simm.s32 $0x10;
	(xrf0) =	vadd.scan.msk.s32 $0xffff, v7;
	s24 =	sadd.s32 s29, s30;
	s31 =	spop (v2sf);
	v18 =	vadd.s32 s29, v27  }
0x10b: {  	v14 =	vsub.s32 v16, v34;
	(xrf0) =	vadd.scan.msk.s32 $0xffff, v8;
	s21 =	sadd.s32 s24, s31;
	[tilespmem:s19+$0x10] =	vst v18;
	v31 =	vadd.s32 s24, v28;
	s23 =	spop (v2sf);
	s24 =	simm.s32 $0x18140  }
.LBB2_22:
0x10c: {  	s22 =	sadd.s32 $0x8, s22;
	s24 =	sadd.s32 $0x80, s24;
	v16, _, _ =	vpop (xrf0);
	(xrf0) =	vadd.scan.msk.s32 $0xffff, v9;
	[tilespmem:s19+$0x20] =	vst v31;
	v18 =	vadd.s32 s21, v11;
	s21 =	sadd.s32 s21, s23;
	v11 =	vmov v14  }
0x10d: {  	v24 =	vld [tilespmem:s24+$0xFFFFFFC0];
	p2 =	slt.u32 s22, $0x18;
	(v2sf) =	vpush v16, $0xF;
	v14, _, _ =	vpop (xrf0);
	(xrf0) =	vadd.scan.msk.s32 $0xffff, v10;
	v13 =	vsub.s32 s21, v13;
	[tilespmem:s19+$0x30] =	vst v18  }
0x10e: {  	v18 =	vsub.s32 v14, v4;
	v4 =	vld [tilespmem:s24+$0xFFFFFFD0];
	(v2sf) =	vpush v14, $0xF;
	v14, _, _ =	vpop (xrf0);
	v28 =	vadd.s32 v17, v13;
	[tilespmem:s19+$0xFFFFFFE0] =	vst v15  }
0x10f: {  	v17 =	vmov v16;
	v27 =	vsub.s32 v14, v5;
	v5 =	vld [tilespmem:s24+$0xFFFFFFE0];
	(v2sf) =	vpush v14, $0xF;
	v14, _, _ =	vpop (xrf0);
	[tilespmem:s19+$0xFFFFFFD0] =	vst v12;
	s19 =	smov.u32 s18;
	s18 =	smov.u32 s20;
	s20 =	smov.u32 s24  }
0x110: {  	v16 =	vsub.s32 v14, v6;
	v6 =	vld [tilespmem:s24+$0xFFFFFFF0];
	(v2sf) =	vpush v14, $0xF;
	v12, _, _ =	vpop (xrf0);
	[tilespmem:s19+$0xFFFFFFC0] =	vst v28;
	s23 =	spop (v2sf);
	v13 =	vmov v26  }
0x111: {  	v28 =	vsub.s32 v12, v7;
	v7 =	vld [tilespmem:s24+$0x0];
	(v2sf) =	vpush v12, $0xF;
	v12, _, _ =	vpop (xrf0);
	s21 =	sadd.s32 s21, s23;
	s23 =	spop (v2sf)  }
0x112: {  	(xrf0) =	vadd.scan.msk.s32 $0xffff, v24;
	v29 =	vsub.s32 v12, v8;
	v8 =	vld [tilespmem:s24+$0x10];
	(v2sf) =	vpush v12, $0xF;
	v14, _, _ =	vpop (xrf0);
	v12 =	vadd.s32 s21, v25;
	s21 =	sadd.s32 s21, s23;
	s23 =	spop (v2sf)  }
.Ltmp12:
0x113: {  	(xrf0) =	vadd.scan.msk.s32 $0xffff, v4;
	v30 =	vsub.s32 v14, v9;
	v9 =	vld [tilespmem:s24+$0x20];
	(v2sf) =	vpush v14, $0xF;
	v25, _, _ =	vpop (xrf0);
	v15 =	vadd.s32 s21, v23;
	s21 =	sadd.s32 s21, s23;
	s23 =	spop (v2sf);
	(pc) =	sbr.rel @p2 .LBB2_22-.Ltmp12, $4  }
0x114: {  	v26 =	vmovc v24;
	(xrf0) =	vadd.scan.msk.s32 $0xffff, v5;
	v14 =	vsub.s32 v25, v10;
	v10 =	vld [tilespmem:s24+$0x30];
	(v2sf) =	vpush v25, $0xF;
	v31 =	vadd.s32 s21, v22;
	s21 =	sadd.s32 s21, s23;
	s23 =	spop (v2sf)  }
0x115: {  	v23 =	vmovc v27;
	v25 =	vmov v18;
	(xrf0) =	vadd.scan.msk.s32 $0xffff, v6;
	[tilespmem:s19+$0xFFFFFFF0] =	vst v31;
	v24 =	vadd.s32 s21, v20;
	s21 =	sadd.s32 s21, s23;
	s23 =	spop (v2sf)  }
0x116: {  	v22 =	vmovc v16;
	v20 =	vmov v28;
	(xrf0) =	vadd.scan.msk.s32 $0xffff, v7;
	[tilespmem:s19+$0x0] =	vst v24;
	v18 =	vadd.s32 s21, v21;
	s21 =	sadd.s32 s21, s23;
	s23 =	spop (v2sf)  }
0x117: {  	v21 =	vmovc v29;
	(xrf0) =	vadd.scan.msk.s32 $0xffff, v8;
	[tilespmem:s19+$0x10] =	vst v18;
	v31 =	vadd.s32 s21, v19;
	s21 =	sadd.s32 s21, s23;
	s23 =	spop (v2sf);
	v19 =	vmov v30  }
0x118: {  	v33 =	vmov v11  }
0x119: {  	v11 =	vmovc v14;
	v32 =	vmovc v13;
	v24 =	vmov v17;
	v14 =	vmov v26;
	v16 =	vmov v25  }
0x11a: {  	s22 =	smov.u32 s19;
	s19 =	smov.u32 s20;
	v18 =	vmovc v23;
	v29 =	vmovc v22;
	v30 =	vmov v20;
	v27 =	vmov v21;
	v28 =	vmov v19  }
.LBB2_24:
0x11b: {  	v13, _, _ =	vpop (xrf0);
	(xrf0) =	vadd.scan.msk.s32 $0xffff, v9  }
0x11c: {  	(v2sf) =	vpush v13, $0xF;
	v17, _, _ =	vpop (xrf0)  }
0x11d: {  	(v2sf) =	vpush v17, $0xF;
	v19, _, _ =	vpop (xrf0)  }
0x11e: {  	(xrf0) =	vadd.scan.msk.s32 $0xffff, v10;
	(v2sf) =	vpush v19, $0xF;
	v20, _, _ =	vpop (xrf0)  }
0x11f: {  	s20 =	sadd.s32 @p0 s21, s23;
	s23 =	simm.s32 $0x0;
	(v2sf) =	vpush v20, $0xF;
	v21, _, _ =	vpop (xrf0)  }
0x120: {  	s23 =	smov.u32 @p0 s20;
	s20 =	spop @p1 (v2sf);
	(v2sf) =	vpush v21, $0xF;
	v22, _, _ =	vpop (xrf0)  }
0x121: {  	[tilespmem:s22+$0x20] =	vst @p0 v31;
	s20 =	sadd.s32 @p1 s23, s20;
	s24 =	spop @p1 (v2sf);
	(v2sf) =	vpush v22, $0xF;
	v23, _, _ =	vpop (xrf0)  }
0x122: {  	v25 =	vadd.s32 @p0 s21, v33;
	[tilespmem:s22+$0xFFFFFFE0] =	vst @p0 v15;
	s25 =	spop @p1 (v2sf);
	s21 =	sadd.s32 @p1 s20, s24;
	(v2sf) =	vpush v23, $0xF  }
0x123: {  	[tilespmem:s22+$0xFFFFFFD0] =	vst @p0 v12;
	v15 =	vsub.s32 @p1 s23, v32;
	s24 =	sadd.s32 @p1 s21, s25;
	s25 =	spop @p1 (v2sf)  }
0x124: {  	[tilespmem:s22+$0x30] =	vst @p0 v25;
	v15 =	vadd.s32 @p1 v24, v15;
	s23 =	sadd.s32 @p1 s24, s25;
	s25 =	spop @p1 (v2sf);
	v57, _, _ =	vpop (xrf0)  }
0x125: {  	[tilespmem:s18+$0xFFFFFFC0] =	vst @p1 v15;
	v15 =	vadd.s32 @p1 s24, v29;
	s22 =	sadd.s32 @p1 s23, s25;
	s25 =	spop @p1 (v2sf);
	(v2sf) =	vpush v57, $0xF  }
0x126: {  	[tilespmem:s18+$0xFFFFFFF0] =	vst @p1 v15;
	v15 =	vadd.s32 @p1 s23, v30;
	s24 =	sadd.s32 @p1 s22, s25;
	s25 =	spop @p1 (v2sf)  }
0x127: {  	v24 =	vadd.s32 @p1 s22, v27;
	[tilespmem:s18+$0x0] =	vst @p1 v15;
	s23 =	sadd.s32 @p1 s24, s25;
	s25 =	spop @p1 (v2sf);
	v25 =	vadd.s32 @p1 s24, v28  }
0x128: {  	v11 =	vpsel p1, v11, v0;
	[tilespmem:s18+$0x10] =	vst @p1 v24;
	s18 =	smov.u32 @p1 s18;
	s22 =	smov.u32 @p1 s23;
	s23 =	smov.u32 @p1 s25;
	v15 =	vpsel p1, v25, v0  }
0x129: {  	v18 =	vadd.s32 @p1 s21, v18;
	s23 =	sadd.s32 @p1 s22, s23;
	[tilespmem:s18+$0x20] =	vst @p1 v15;
	v11 =	vadd.s32 @p1 s22, v11  }
0x12a: {  	v15 =	vadd.s32 @p1 s20, v16;
	v16 =	vpsel p1, v18, v0;
	s17 =	smov.u32 @p1 s23;
	[tilespmem:s18+$0x30] =	vst @p1 v11  }
0x12b: {  	v11 =	vpsel p1, v15, v0;
	[tilespmem:s18+$0xFFFFFFE0] =	vst @p1 v16;
	v14 =	vsub.s32 s17, v14;
	s30 =	spop (v2sf)  }
0x12c: {  	v4 =	vsub.s32 v17, v4;
	[tilespmem:s18+$0xFFFFFFD0] =	vst @p1 v11;
	v13 =	vadd.s32 v13, v14;
	s31 =	sadd.s32 s17, s30;
	s22 =	spop (v2sf)  }
0x12d: {  	v5 =	vsub.s32 v19, v5;
	[tilespmem:s19+$0xFFFFFFC0] =	vst v13;
	s23 =	sadd.s32 s31, s22;
	s24 =	spop (v2sf);
	v4 =	vadd.s32 s31, v4  }
0x12e: {  	v6 =	vsub.s32 v20, v6;
	s25 =	sadd.s32 s23, s24;
	s26 =	spop (v2sf);
	v5 =	vadd.s32 s23, v5;
	[tilespmem:s19+$0xFFFFFFD0] =	vst v4  }
0x12f: {  	v7 =	vsub.s32 v21, v7;
	v6 =	vadd.s32 s25, v6;
	s18 =	sadd.s32 s25, s26;
	s28 =	spop (v2sf);
	[tilespmem:s19+$0xFFFFFFE0] =	vst v5  }
0x130: {  	v8 =	vsub.s32 v22, v8;
	[tilespmem:s19+$0xFFFFFFF0] =	vst v6;
	v58 =	vadd.s32 s18, v7;
	s18 =	sadd.s32 s18, s28;
	s29 =	spop (v2sf)  }
0x131: {  	v59 =	vsub.s32 v23, v9;
	[tilespmem:s19+$0x0] =	vst v58;
	v60 =	vadd.s32 s18, v8;
	s18 =	sadd.s32 s18, s29;
	s30 =	spop (v2sf)  }
0x132: {  	v61 =	vsub.s32 v57, v10;
	[tilespmem:s19+$0x10] =	vst v60;
	v62 =	vadd.s32 s18, v59;
	s18 =	sadd.s32 s18, s30  }
0x133: {  	p0 =	por $0x1, $0x1;
	[tilespmem:s19+$0x20] =	vst v62;
	v63 =	vadd.s32 s18, v61  }
0x134: {  	s17 =	simm.s32 $0x0;
	s31 =	spop (v2sf);
	s18 =	simm.s32 $0x0;
	[tilespmem:s19+$0x30] =	vst v63  }
.LBB2_25:
0x135: {  	s17 =	sshra.s32 s17, $0x2  }
0x136: {  	v4 =	vld [tilespmem:s17+$0x18200]  }
0x137: {  	v5 =	vld [tilespmem:s17+$0x18210]  }
0x138: {  	v6 =	vld [tilespmem:s17+$0x18220]  }
0x139: {  	v7 =	vld [tilespmem:s17+$0x18230]  }
0x13a: {  	v8 =	vld [tilespmem:s17+$0x18240]  }
0x13b: {  	v9 =	vld [tilespmem:s17+$0x18250];
	(xrf0) =	vadd.scan.msk.s32 $0xffff, v4  }
0x13c: {  	v10 =	vld [tilespmem:s17+$0x18260];
	(xrf0) =	vadd.scan.msk.s32 $0xffff, v5  }
0x13d: {  	(xrf0) =	vadd.scan.msk.s32 $0xffff, v6  }
0x13e: {  	v11 =	vld [tilespmem:s17+$0x18270];
	(xrf0) =	vadd.scan.msk.s32 $0xffff, v7  }
0x13f: {  	(xrf0) =	vadd.scan.msk.s32 $0xffff, v8  }
0x140: {  	(xrf0) =	vadd.scan.msk.s32 $0xffff, v9  }
0x141: {  	v12, _, _ =	vpop (xrf0);
	(xrf0) =	vadd.scan.msk.s32 $0xffff, v10  }
0x142: {  	v13, _, _ =	vpop (xrf0);
	(v2sf) =	vpush v12, $0xF  }
0x143: {  	(xrf0) =	vadd.scan.msk.s32 $0xffff, v11;
	(v2sf) =	vpush v13, $0xF;
	v14, _, _ =	vpop (xrf0)  }
0x144: {  	v15, _, _ =	vpop (xrf0);
	(v2sf) =	vpush v14, $0xF  }
0x145: {  	v16, _, _ =	vpop (xrf0);
	(v2sf) =	vpush v15, $0xF  }
0x146: {  	v17, _, _ =	vpop (xrf0);
	(v2sf) =	vpush v16, $0xF  }
0x147: {  	v18, _, _ =	vpop (xrf0);
	(v2sf) =	vpush v17, $0xF  }
0x148: {  	(v2sf) =	vpush v18, $0xF  }
0x149: {  	v19, _, _ =	vpop (xrf0)  }
0x14a: {  	(v2sf) =	vpush v19, $0xF;
	_ =	sdelay $0x6  }
0x14b: {  	v4 =	vsub.s32 s18, v4;
	s19 =	spop (v2sf)  }
0x14c: {  	v4 =	vadd.s32 v12, v4;
	v5 =	vsub.s32 v13, v5;
	s23 =	sadd.s32 s18, s19;
	s24 =	spop (v2sf)  }
0x14d: {  	[tilespmem:s17+$0x18200] =	vst v4;
	v4 =	vsub.s32 v14, v6;
	v5 =	vadd.s32 s23, v5;
	s18 =	sadd.s32 s23, s24;
	s25 =	spop (v2sf)  }
0x14e: {  	[tilespmem:s17+$0x18210] =	vst v5;
	v5 =	vsub.s32 v15, v7;
	v4 =	vadd.s32 s18, v4;
	s18 =	sadd.s32 s18, s25;
	s26 =	spop (v2sf)  }
0x14f: {  	p1 =	por p0, p0;
	[tilespmem:s17+$0x18220] =	vst v4;
	v4 =	vsub.s32 v16, v8;
	v5 =	vadd.s32 s18, v5;
	s18 =	sadd.s32 s18, s26;
	s28 =	spop (v2sf)  }
.Ltmp13:
0x150: {  	[tilespmem:s17+$0x18230] =	vst v5;
	v5 =	vsub.s32 v17, v9;
	v4 =	vadd.s32 s18, v4;
	s18 =	sadd.s32 s18, s28;
	s29 =	spop (v2sf);
	(pc) =	sbr.rel @p1 .LBB2_25-.Ltmp13, $4  }
0x151: {  	[tilespmem:s17+$0x18240] =	vst v4;
	v4 =	vsub.s32 v18, v10;
	v5 =	vadd.s32 s18, v5;
	s18 =	sadd.s32 s18, s29;
	s30 =	spop (v2sf)  }
0x152: {  	[tilespmem:s17+$0x18250] =	vst v5;
	v5 =	vsub.s32 v19, v11;
	v4 =	vadd.s32 s18, v4;
	s18 =	sadd.s32 s18, s30  }
0x153: {  	s31 =	spop (v2sf);
	[tilespmem:s17+$0x18260] =	vst v4;
	v4 =	vadd.s32 s18, v5  }
0x154: {  	p0 =	por $0x0, $0x0;
	s18 =	sadd.s32 s18, s31;
	[tilespmem:s17+$0x18270] =	vst v4;
	s17 =	simm.s32 $0x200  }
0x155: {  	v4 =	vld [tilespmem:$0x0];
	_ =	sdelay $0x4  }
0x156: {  	v5 =	vand.u32 $0x7FFF, v4  }
0x157: {  	(xrf1) =	vunique.msk.u32 $0xffff, v5;
	_ =	sdelay $0x6  }
0x158: {  	s17 =	simm.s32 $0x20  }
0x159: {  	v6 =	vld [tilespmem:s17+$0xFFFFFFF0];
	_ =	sdelay $0x1  }
0x15a: {  	v7 =	vld.idx.msk [tilespmem:v5+s10+$0x0], $0xffff;
	_ =	sdelay $0x2  }
0x15b: {  	v8 =	vand.u32 $0x7FFF, v6  }
0x15c: {  	_, v9, _ =	vpop (xrf1);
	(xrf1) =	vunique.msk.u32 $0xffff, v8  }
0x15d: {  	v7 =	vadd.s32 v7, v9  }
0x15e: {  	v7 =	vadd.s32 $0xFFFFFFFF, v7;
	_ =	sdelay $0x2  }
0x15f: {  	v4 =	vand.u32 $0xFFFF8000, v4  }
0x160: {  	v4 =	vor.u32 v3, v4  }
0x161: {  	[tilespmem:v7+s13+$0x0] =	vst.idx.msk $0xffff, v4  }
0x162: {  	[tilespmem:v5+s10+$0x0] =	vst.idx.add.s32.msk $0xffff, v2  }
0x163: {  	v5 =	vld [tilespmem:s17+$0x0]  }
0x164: {  	v4 =	vld.idx.msk [tilespmem:v8+s10+$0x0], $0xffff;
	_ =	sdelay $0x3  }
0x165: {  	v7 =	vand.u32 $0x7FFF, v5;
	_, v9, _ =	vpop (xrf1)  }
0x166: {  	(xrf1) =	vunique.msk.u32 $0xffff, v7;
	v4 =	vadd.s32 v4, v9  }
0x167: {  	v4 =	vadd.s32 $0xFFFFFFFF, v4;
	_ =	sdelay $0x1  }
0x168: {  	s18 =	simm.s32 $0x10;
	v6 =	vand.u32 $0xFFFF8000, v6  }
0x169: {  	v6 =	vor.u32 s18, v6  }
0x16a: {  	v6 =	vor.u32 v3, v6  }
0x16b: {  	[tilespmem:v4+s13+$0x0] =	vst.idx.msk $0xffff, v6  }
0x16c: {  	[tilespmem:v8+s10+$0x0] =	vst.idx.add.s32.msk $0xffff, v2  }
0x16d: {  	v6 =	vld [tilespmem:s17+$0x10];
	_ =	sdelay $0x1  }
0x16e: {  	v8 =	vld.idx.msk [tilespmem:v7+s10+$0x0], $0xffff;
	_ =	sdelay $0x2  }
0x16f: {  	v4 =	vand.u32 $0x7FFF, v6  }
0x170: {  	_, v9, _ =	vpop (xrf1);
	(xrf1) =	vunique.msk.u32 $0xffff, v4  }
0x171: {  	v8 =	vadd.s32 v8, v9  }
0x172: {  	v8 =	vadd.s32 $0xFFFFFFFF, v8;
	_ =	sdelay $0x1  }
0x173: {  	s31 =	simm.s32 $0x20;
	v5 =	vand.u32 $0xFFFF8000, v5  }
0x174: {  	v5 =	vor.u32 s31, v5  }
0x175: {  	v5 =	vor.u32 v3, v5  }
0x176: {  	[tilespmem:v8+s13+$0x0] =	vst.idx.msk $0xffff, v5  }
0x177: {  	[tilespmem:v7+s10+$0x0] =	vst.idx.add.s32.msk $0xffff, v2  }
0x178: {  	v5 =	vld [tilespmem:s17+$0x20]  }
0x179: {  	v6 =	vand.u32 $0xFFFF8000, v6;
	v7 =	vld.idx.msk [tilespmem:v4+s10+$0x0], $0xffff;
	_ =	sdelay $0x2  }
0x17a: {  	s19 =	simm.s32 $0x30  }
0x17b: {  	v8 =	vor.u32 s19, v6;
	_, v6, _ =	vpop (xrf1)  }
0x17c: {  	v9 =	vand.u32 $0xFFFF8000, v5;
	v5 =	vand.u32 $0x7FFF, v5;
	v6 =	vadd.s32 v7, v6  }
0x17d: {  	(xrf1) =	vunique.msk.u32 $0xffff, v5;
	v7 =	vadd.s32 $0xFFFFFFFF, v6  }
0x17e: {  	s18 =	simm.s32 $0x40  }
0x17f: {  	v9 =	vor.u32 s18, v9  }
0x180: {  	s19 =	simm.s32 $0x0;
	v8 =	vor.u32 v3, v8;
	v6 =	vor.u32 v3, v9  }
.LBB2_27:
0x181: {  	_ = 	snop  }
0x182: {  	s19 =	sadd.s32 $0x4, s19;
	[tilespmem:v7+s13+$0x0] =	vst.idx.msk $0xffff, v8;
	s18 =	sadd.s32 $0x40, s18;
	s17 =	sadd.s32 $0x40, s17  }
0x183: {  	p0 =	slt.u32 s19, $0x7F8;
	[tilespmem:v4+s10+$0x0] =	vst.idx.add.s32.msk $0xffff, v2;
	_ =	sdelay $0x1  }
0x184: {  	v4 =	vld [tilespmem:s17+$0xFFFFFFF0]  }
0x185: {  	v7 =	vld.idx.msk [tilespmem:v5+s10+$0x0], $0xffff;
	_ =	sdelay $0x3  }
0x186: {  	s20 =	sadd.s32 $0xFFFFFFD0, s18;
	v8 =	vand.u32 $0x7FFF, v4;
	v4 =	vand.u32 $0xFFFF8000, v4  }
0x187: {  	v4 =	vor.u32 s20, v4;
	(xrf1) =	vunique.msk.u32 $0xffff, v8;
	_, v9, _ =	vpop (xrf1)  }
0x188: {  	v7 =	vadd.s32 v7, v9  }
0x189: {  	v7 =	vadd.s32 $0xFFFFFFFF, v7;
	_ =	sdelay $0x4  }
0x18a: {  	[tilespmem:v7+s13+$0x0] =	vst.idx.msk $0xffff, v6  }
0x18b: {  	[tilespmem:v5+s10+$0x0] =	vst.idx.add.s32.msk $0xffff, v2  }
0x18c: {  	v5 =	vld [tilespmem:s17+$0x0]  }
0x18d: {  	v6 =	vld.idx.msk [tilespmem:v8+s10+$0x0], $0xffff;
	_ =	sdelay $0x3  }
0x18e: {  	s20 =	sadd.s32 $0xFFFFFFE0, s18;
	v7 =	vand.u32 $0x7FFF, v5;
	v5 =	vand.u32 $0xFFFF8000, v5;
	_, v9, _ =	vpop (xrf1)  }
0x18f: {  	v5 =	vor.u32 s20, v5;
	(xrf1) =	vunique.msk.u32 $0xffff, v7  }
0x190: {  	v6 =	vadd.s32 v6, v9  }
0x191: {  	v6 =	vadd.s32 $0xFFFFFFFF, v6;
	_ =	sdelay $0x2  }
0x192: {  	v4 =	vor.u32 v3, v4;
	_ =	sdelay $0x1  }
0x193: {  	[tilespmem:v6+s13+$0x0] =	vst.idx.msk $0xffff, v4  }
0x194: {  	[tilespmem:v8+s10+$0x0] =	vst.idx.add.s32.msk $0xffff, v2  }
0x195: {  	v6 =	vld [tilespmem:s17+$0x10]  }
0x196: {  	v8 =	vld.idx.msk [tilespmem:v7+s10+$0x0], $0xffff;
	_ =	sdelay $0x3  }
0x197: {  	s20 =	sadd.s32 $0xFFFFFFF0, s18;
	v4 =	vand.u32 $0x7FFF, v6;
	v6 =	vand.u32 $0xFFFF8000, v6;
	_, v9, _ =	vpop (xrf1)  }
0x198: {  	v10 =	vor.u32 s20, v6;
	(xrf1) =	vunique.msk.u32 $0xffff, v4  }
0x199: {  	v6 =	vadd.s32 v8, v9  }
0x19a: {  	v6 =	vadd.s32 $0xFFFFFFFF, v6;
	_ =	sdelay $0x3  }
0x19b: {  	v5 =	vor.u32 v3, v5  }
0x19c: {  	[tilespmem:v6+s13+$0x0] =	vst.idx.msk $0xffff, v5  }
0x19d: {  	[tilespmem:v7+s10+$0x0] =	vst.idx.add.s32.msk $0xffff, v2  }
0x19e: {  	v6 =	vld.idx.msk [tilespmem:v4+s10+$0x0], $0xffff  }
0x19f: {  	v7 =	vld [tilespmem:s17+$0x20];
	_ =	sdelay $0x3  }
0x1a0: {  	_, v8, _ =	vpop (xrf1)  }
.Ltmp14:
0x1a1: {  	v5 =	vand.u32 $0x7FFF, v7;
	v7 =	vand.u32 $0xFFFF8000, v7;
	v6 =	vadd.s32 v6, v8;
	(pc) =	sbr.rel @p0 .LBB2_27-.Ltmp14, $3  }
0x1a2: {  	v8 =	vor.u32 s18, v7;
	v7 =	vadd.s32 $0xFFFFFFFF, v6;
	(xrf1) =	vunique.msk.u32 $0xffff, v5  }
0x1a3: {  	v6 =	vor.u32 v3, v8;
	_ =	sdelay $0x1  }
0x1a4: {  	v8 =	vor.u32 v3, v10  }
0x1a5: {  	_ =	sdelay $0x3  }
0x1a6: {  	[tilespmem:v7+s13+$0x0] =	vst.idx.msk $0xffff, v8  }
0x1a7: {  	[tilespmem:v4+s10+$0x0] =	vst.idx.add.s32.msk $0xffff, v2  }
0x1a8: {  	v4 =	vld [tilespmem:$0x7FD0];
	_ =	sdelay $0x1  }
0x1a9: {  	v7 =	vld.idx.msk [tilespmem:v5+s10+$0x0], $0xffff;
	_ =	sdelay $0x2  }
0x1aa: {  	v8 =	vand.u32 $0x7FFF, v4  }
0x1ab: {  	(xrf1) =	vunique.msk.u32 $0xffff, v8;
	_, v9, _ =	vpop (xrf1)  }
0x1ac: {  	v7 =	vadd.s32 v7, v9  }
0x1ad: {  	v7 =	vadd.s32 $0xFFFFFFFF, v7;
	_ =	sdelay $0x4  }
0x1ae: {  	[tilespmem:v7+s13+$0x0] =	vst.idx.msk $0xffff, v6  }
0x1af: {  	[tilespmem:v5+s10+$0x0] =	vst.idx.add.s32.msk $0xffff, v2  }
0x1b0: {  	v5 =	vld [tilespmem:$0x7FE0]  }
0x1b1: {  	v6 =	vld.idx.msk [tilespmem:v8+s10+$0x0], $0xffff;
	_ =	sdelay $0x3  }
0x1b2: {  	_, v7, _ =	vpop (xrf1)  }
0x1b3: {  	v9 =	vand.u32 $0x7FFF, v5;
	v6 =	vadd.s32 v6, v7  }
0x1b4: {  	(xrf1) =	vunique.msk.u32 $0xffff, v9;
	v6 =	vadd.s32 $0xFFFFFFFF, v6;
	_ =	sdelay $0x2  }
0x1b5: {  	v4 =	vand.u32 $0xFFFF8000, v4;
	v7 =	vor.u32 $0x7FD0, v3  }
0x1b6: {  	v4 =	vor.u32 v7, v4  }
0x1b7: {  	[tilespmem:v6+s13+$0x0] =	vst.idx.msk $0xffff, v4  }
0x1b8: {  	[tilespmem:v8+s10+$0x0] =	vst.idx.add.s32.msk $0xffff, v2  }
0x1b9: {  	v4 =	vld [tilespmem:$0x7FF0];
	_ =	sdelay $0x2  }
0x1ba: {  	v6 =	vld.idx.msk [tilespmem:v9+s10+$0x0], $0xffff;
	_ =	sdelay $0x1  }
0x1bb: {  	v7 =	vand.u32 $0x7FFF, v4  }
0x1bc: {  	(xrf1) =	vunique.msk.u32 $0xffff, v7  }
0x1bd: {  	_, v8, _ =	vpop (xrf1)  }
0x1be: {  	v6 =	vadd.s32 v6, v8  }
0x1bf: {  	v6 =	vadd.s32 $0xFFFFFFFF, v6;
	_ =	sdelay $0x2  }
0x1c0: {  	v5 =	vand.u32 $0xFFFF8000, v5;
	v8 =	vor.u32 $0x7FE0, v3  }
0x1c1: {  	v5 =	vor.u32 v8, v5  }
0x1c2: {  	[tilespmem:v6+s13+$0x0] =	vst.idx.msk $0xffff, v5  }
0x1c3: {  	[tilespmem:v9+s10+$0x0] =	vst.idx.add.s32.msk $0xffff, v2  }
0x1c4: {  	v5 =	vld.idx.msk [tilespmem:v7+s10+$0x0], $0xffff;
	_ =	sdelay $0x3  }
0x1c5: {  	_, v6, _ =	vpop (xrf1)  }
0x1c6: {  	v5 =	vadd.s32 v5, v6  }
0x1c7: {  	v5 =	vadd.s32 $0xFFFFFFFF, v5;
	_ =	sdelay $0x2  }
0x1c8: {  	v4 =	vand.u32 $0xFFFF8000, v4;
	v6 =	vor.u32 $0x7FF0, v3  }
0x1c9: {  	v4 =	vor.u32 v6, v4  }
0x1ca: {  	[tilespmem:v5+s13+$0x0] =	vst.idx.msk $0xffff, v4  }
0x1cb: {  	[tilespmem:v7+s10+$0x0] =	vst.idx.add.s32.msk $0xffff, v2  }
0x1cc: {  	v4 =	vld [tilespmem:$0x8000];
	_ =	sdelay $0x4  }
0x1cd: {  	v5 =	vshrl.u32 v4, $0xF  }
0x1ce: {  	v5 =	vand.u32 $0x1FF, v5  }
0x1cf: {  	(xrf1) =	vunique.msk.u32 $0xffff, v5;
	_ =	sdelay $0x6  }
0x1d0: {  	s17 =	simm.s32 $0x8040  }
0x1d1: {  	v6 =	vld [tilespmem:s17+$0xFFFFFFD0];
	_ =	sdelay $0x1  }
0x1d2: {  	v7 =	vld.idx.msk [tilespmem:v5+s11+$0x0], $0xffff;
	_ =	sdelay $0x2  }
0x1d3: {  	v8 =	vshrl.u32 v6, $0xF  }
0x1d4: {  	v8 =	vand.u32 $0x1FF, v8;
	_, v9, _ =	vpop (xrf1)  }
0x1d5: {  	(xrf1) =	vunique.msk.u32 $0xffff, v8;
	v7 =	vadd.s32 v7, v9  }
0x1d6: {  	v7 =	vadd.s32 $0xFFFFFFFF, v7;
	_ =	sdelay $0x4  }
0x1d7: {  	[tilespmem:v7+s4+$0x0] =	vst.idx.msk $0xffff, v4  }
0x1d8: {  	[tilespmem:v5+s11+$0x0] =	vst.idx.add.s32.msk $0xffff, v2  }
0x1d9: {  	v4 =	vld [tilespmem:s17+$0xFFFFFFE0];
	_ =	sdelay $0x1  }
0x1da: {  	v5 =	vld.idx.msk [tilespmem:v8+s11+$0x0], $0xffff;
	_ =	sdelay $0x2  }
0x1db: {  	v7 =	vshrl.u32 v4, $0xF  }
0x1dc: {  	_, v9, _ =	vpop (xrf1);
	v7 =	vand.u32 $0x1FF, v7  }
0x1dd: {  	v5 =	vadd.s32 v5, v9;
	(xrf1) =	vunique.msk.u32 $0xffff, v7  }
0x1de: {  	v5 =	vadd.s32 $0xFFFFFFFF, v5;
	_ =	sdelay $0x4  }
0x1df: {  	[tilespmem:v5+s4+$0x0] =	vst.idx.msk $0xffff, v6  }
0x1e0: {  	[tilespmem:v8+s11+$0x0] =	vst.idx.add.s32.msk $0xffff, v2  }
0x1e1: {  	v5 =	vld [tilespmem:s17+$0xFFFFFFF0];
	_ =	sdelay $0x1  }
0x1e2: {  	v8 =	vld.idx.msk [tilespmem:v7+s11+$0x0], $0xffff;
	_ =	sdelay $0x2  }
0x1e3: {  	v6 =	vshrl.u32 v5, $0xF  }
0x1e4: {  	v6 =	vand.u32 $0x1FF, v6;
	_, v9, _ =	vpop (xrf1)  }
0x1e5: {  	(xrf1) =	vunique.msk.u32 $0xffff, v6;
	v8 =	vadd.s32 v8, v9  }
0x1e6: {  	v8 =	vadd.s32 $0xFFFFFFFF, v8;
	_ =	sdelay $0x4  }
0x1e7: {  	[tilespmem:v8+s4+$0x0] =	vst.idx.msk $0xffff, v4  }
0x1e8: {  	[tilespmem:v7+s11+$0x0] =	vst.idx.add.s32.msk $0xffff, v2  }
0x1e9: {  	v4 =	vld [tilespmem:s17+$0x0];
	_ =	sdelay $0x1  }
0x1ea: {  	v8 =	vld.idx.msk [tilespmem:v6+s11+$0x0], $0xffff;
	_ =	sdelay $0x2  }
0x1eb: {  	v7 =	vshrl.u32 v4, $0xF  }
0x1ec: {  	_, v9, _ =	vpop (xrf1);
	v7 =	vand.u32 $0x1FF, v7  }
0x1ed: {  	v8 =	vadd.s32 v8, v9;
	(xrf1) =	vunique.msk.u32 $0xffff, v7  }
0x1ee: {  	s18 =	simm.s32 $0x0;
	v8 =	vadd.s32 $0xFFFFFFFF, v8  }
.LBB2_29:
0x1ef: {  	_ =	sdelay $0x3  }
0x1f0: {  	s18 =	sadd.s32 $0x4, s18;
	[tilespmem:v8+s4+$0x0] =	vst.idx.msk $0xffff, v5;
	s17 =	sadd.s32 $0x40, s17  }
0x1f1: {  	p0 =	slt.u32 s18, $0x7F8;
	[tilespmem:v6+s11+$0x0] =	vst.idx.add.s32.msk $0xffff, v2  }
0x1f2: {  	v5 =	vld [tilespmem:s17+$0xFFFFFFD0]  }
0x1f3: {  	v6 =	vld.idx.msk [tilespmem:v7+s11+$0x0], $0xffff;
	_ =	sdelay $0x3  }
0x1f4: {  	v8 =	vshrl.u32 v5, $0xF  }
0x1f5: {  	v8 =	vand.u32 $0x1FF, v8;
	_, v9, _ =	vpop (xrf1)  }
0x1f6: {  	v6 =	vadd.s32 v6, v9;
	(xrf1) =	vunique.msk.u32 $0xffff, v8  }
0x1f7: {  	v6 =	vadd.s32 $0xFFFFFFFF, v6;
	_ =	sdelay $0x4  }
0x1f8: {  	[tilespmem:v6+s4+$0x0] =	vst.idx.msk $0xffff, v4  }
0x1f9: {  	[tilespmem:v7+s11+$0x0] =	vst.idx.add.s32.msk $0xffff, v2  }
0x1fa: {  	v4 =	vld [tilespmem:s17+$0xFFFFFFE0]  }
0x1fb: {  	v6 =	vld.idx.msk [tilespmem:v8+s11+$0x0], $0xffff;
	_ =	sdelay $0x3  }
0x1fc: {  	v7 =	vshrl.u32 v4, $0xF  }
0x1fd: {  	v7 =	vand.u32 $0x1FF, v7;
	_, v9, _ =	vpop (xrf1)  }
0x1fe: {  	v6 =	vadd.s32 v6, v9;
	(xrf1) =	vunique.msk.u32 $0xffff, v7  }
0x1ff: {  	v6 =	vadd.s32 $0xFFFFFFFF, v6;
	_ =	sdelay $0x4  }
0x200: {  	[tilespmem:v6+s4+$0x0] =	vst.idx.msk $0xffff, v5  }
0x201: {  	[tilespmem:v8+s11+$0x0] =	vst.idx.add.s32.msk $0xffff, v2  }
0x202: {  	v5 =	vld [tilespmem:s17+$0xFFFFFFF0]  }
0x203: {  	v8 =	vld.idx.msk [tilespmem:v7+s11+$0x0], $0xffff;
	_ =	sdelay $0x3  }
0x204: {  	v6 =	vshrl.u32 v5, $0xF  }
0x205: {  	v6 =	vand.u32 $0x1FF, v6;
	_, v9, _ =	vpop (xrf1)  }
0x206: {  	v8 =	vadd.s32 v8, v9;
	(xrf1) =	vunique.msk.u32 $0xffff, v6  }
0x207: {  	v8 =	vadd.s32 $0xFFFFFFFF, v8;
	_ =	sdelay $0x4  }
0x208: {  	[tilespmem:v8+s4+$0x0] =	vst.idx.msk $0xffff, v4  }
0x209: {  	[tilespmem:v7+s11+$0x0] =	vst.idx.add.s32.msk $0xffff, v2  }
0x20a: {  	v4 =	vld [tilespmem:s17+$0x0]  }
0x20b: {  	v8 =	vld.idx.msk [tilespmem:v6+s11+$0x0], $0xffff;
	_ =	sdelay $0x2  }
.Ltmp15:
0x20c: {  	(pc) =	sbr.rel @p0 .LBB2_29-.Ltmp15, $4  }
0x20d: {  	v7 =	vshrl.u32 v4, $0xF  }
0x20e: {  	v7 =	vand.u32 $0x1FF, v7;
	_, v9, _ =	vpop (xrf1)  }
0x20f: {  	v8 =	vadd.s32 v8, v9;
	(xrf1) =	vunique.msk.u32 $0xffff, v7  }
0x210: {  	v8 =	vadd.s32 $0xFFFFFFFF, v8  }
0x211: {  	_ =	sdelay $0x3  }
0x212: {  	[tilespmem:v8+s4+$0x0] =	vst.idx.msk $0xffff, v5  }
0x213: {  	[tilespmem:v6+s11+$0x0] =	vst.idx.add.s32.msk $0xffff, v2  }
0x214: {  	v5 =	vld [tilespmem:$0xFFD0];
	_ =	sdelay $0x2  }
0x215: {  	v6 =	vld.idx.msk [tilespmem:v7+s11+$0x0], $0xffff;
	_ =	sdelay $0x1  }
0x216: {  	v8 =	vshrl.u32 v5, $0xF  }
0x217: {  	v8 =	vand.u32 $0x1FF, v8  }
0x218: {  	(xrf1) =	vunique.msk.u32 $0xffff, v8;
	_, v9, _ =	vpop (xrf1)  }
0x219: {  	v6 =	vadd.s32 v6, v9  }
0x21a: {  	v6 =	vadd.s32 $0xFFFFFFFF, v6;
	_ =	sdelay $0x4  }
0x21b: {  	[tilespmem:v6+s4+$0x0] =	vst.idx.msk $0xffff, v4  }
0x21c: {  	[tilespmem:v7+s11+$0x0] =	vst.idx.add.s32.msk $0xffff, v2  }
0x21d: {  	v4 =	vld [tilespmem:$0xFFE0]  }
0x21e: {  	v6 =	vld.idx.msk [tilespmem:v8+s11+$0x0], $0xffff;
	_ =	sdelay $0x3  }
0x21f: {  	_, v7, _ =	vpop (xrf1)  }
0x220: {  	v9 =	vshrl.u32 v4, $0xF;
	v6 =	vadd.s32 v6, v7  }
0x221: {  	v7 =	vand.u32 $0x1FF, v9;
	v6 =	vadd.s32 $0xFFFFFFFF, v6  }
0x222: {  	(xrf1) =	vunique.msk.u32 $0xffff, v7;
	_ =	sdelay $0x3  }
0x223: {  	[tilespmem:v6+s4+$0x0] =	vst.idx.msk $0xffff, v5  }
0x224: {  	[tilespmem:v8+s11+$0x0] =	vst.idx.add.s32.msk $0xffff, v2  }
0x225: {  	v5 =	vld [tilespmem:$0xFFF0];
	_ =	sdelay $0x3  }
0x226: {  	v6 =	vld.idx.msk [tilespmem:v7+s11+$0x0], $0xffff  }
0x227: {  	v8 =	vshrl.u32 v5, $0xF  }
0x228: {  	v8 =	vand.u32 $0x1FF, v8  }
0x229: {  	(xrf1) =	vunique.msk.u32 $0xffff, v8  }
0x22a: {  	_, v9, _ =	vpop (xrf1)  }
0x22b: {  	v6 =	vadd.s32 v6, v9  }
0x22c: {  	v6 =	vadd.s32 $0xFFFFFFFF, v6;
	_ =	sdelay $0x4  }
0x22d: {  	[tilespmem:v6+s4+$0x0] =	vst.idx.msk $0xffff, v4  }
0x22e: {  	[tilespmem:v7+s11+$0x0] =	vst.idx.add.s32.msk $0xffff, v2  }
0x22f: {  	v4 =	vld.idx.msk [tilespmem:v8+s11+$0x0], $0xffff;
	_ =	sdelay $0x3  }
0x230: {  	_, v6, _ =	vpop (xrf1)  }
0x231: {  	v4 =	vadd.s32 v4, v6  }
0x232: {  	v4 =	vadd.s32 $0xFFFFFFFF, v4;
	_ =	sdelay $0x4  }
0x233: {  	[tilespmem:v4+s4+$0x0] =	vst.idx.msk $0xffff, v5  }
0x234: {  	[tilespmem:v8+s11+$0x0] =	vst.idx.add.s32.msk $0xffff, v2  }
0x235: {  	v4 =	vld [tilespmem:$0x0];
	_ =	sdelay $0x4  }
0x236: {  	v5 =	vshrl.u32 v4, $0x18  }
0x237: {  	(xrf1) =	vunique.msk.u32 $0xffff, v5;
	_ =	sdelay $0x6  }
0x238: {  	s17 =	simm.s32 $0x40  }
0x239: {  	v6 =	vld [tilespmem:s17+$0xFFFFFFD0];
	_ =	sdelay $0x1  }
0x23a: {  	v7 =	vld.idx.msk [tilespmem:v5+s12+$0x0], $0xffff;
	_ =	sdelay $0x2  }
0x23b: {  	v8 =	vshrl.u32 v6, $0x18  }
0x23c: {  	_, v9, _ =	vpop (xrf1);
	(xrf1) =	vunique.msk.u32 $0xffff, v8  }
0x23d: {  	v7 =	vadd.s32 v7, v9  }
0x23e: {  	v7 =	vadd.s32 $0xFFFFFFFF, v7;
	_ =	sdelay $0x3  }
0x23f: {  	v4 =	vand.u32 $0x7FFF, v4  }
0x240: {  	[tilespmem:v7+s13+$0x0] =	vst.idx.msk $0xffff, v4  }
0x241: {  	[tilespmem:v5+s12+$0x0] =	vst.idx.add.s32.msk $0xffff, v2  }
0x242: {  	v5 =	vld [tilespmem:s17+$0xFFFFFFE0]  }
0x243: {  	v4 =	vld.idx.msk [tilespmem:v8+s12+$0x0], $0xffff;
	_ =	sdelay $0x3  }
0x244: {  	v7 =	vshrl.u32 v5, $0x18;
	_, v9, _ =	vpop (xrf1)  }
0x245: {  	(xrf1) =	vunique.msk.u32 $0xffff, v7;
	v4 =	vadd.s32 v4, v9  }
0x246: {  	v4 =	vadd.s32 $0xFFFFFFFF, v4;
	_ =	sdelay $0x3  }
0x247: {  	v6 =	vand.u32 $0x7FFF, v6  }
0x248: {  	[tilespmem:v4+s13+$0x0] =	vst.idx.msk $0xffff, v6  }
0x249: {  	[tilespmem:v8+s12+$0x0] =	vst.idx.add.s32.msk $0xffff, v2  }
0x24a: {  	v8 =	vld [tilespmem:s17+$0xFFFFFFF0];
	_ =	sdelay $0x1  }
0x24b: {  	v6 =	vld.idx.msk [tilespmem:v7+s12+$0x0], $0xffff;
	_ =	sdelay $0x2  }
0x24c: {  	v4 =	vshrl.u32 v8, $0x18  }
0x24d: {  	_, v9, _ =	vpop (xrf1);
	(xrf1) =	vunique.msk.u32 $0xffff, v4  }
0x24e: {  	v6 =	vadd.s32 v6, v9  }
0x24f: {  	v6 =	vadd.s32 $0xFFFFFFFF, v6;
	_ =	sdelay $0x3  }
0x250: {  	v5 =	vand.u32 $0x7FFF, v5  }
0x251: {  	[tilespmem:v6+s13+$0x0] =	vst.idx.msk $0xffff, v5  }
0x252: {  	[tilespmem:v7+s12+$0x0] =	vst.idx.add.s32.msk $0xffff, v2  }
0x253: {  	v6 =	vld.idx.msk [tilespmem:v4+s12+$0x0], $0xffff  }
0x254: {  	v7 =	vld [tilespmem:s17+$0x0];
	_ =	sdelay $0x3  }
0x255: {  	_, v9, _ =	vpop (xrf1)  }
0x256: {  	v5 =	vshrl.u32 v7, $0x18;
	v9 =	vadd.s32 v6, v9  }
0x257: {  	v6 =	vand.u32 $0x7FFF, v7;
	(xrf1) =	vunique.msk.u32 $0xffff, v5;
	v7 =	vadd.s32 $0xFFFFFFFF, v9;
	_ =	sdelay $0x2  }
0x258: {  	s18 =	simm.s32 $0x0;
	v8 =	vand.u32 $0x7FFF, v8  }
.LBB2_31:
0x259: {  	_ = 	snop  }
0x25a: {  	s18 =	sadd.s32 $0x4, s18;
	[tilespmem:v7+s13+$0x0] =	vst.idx.msk $0xffff, v8;
	s17 =	sadd.s32 $0x40, s17  }
0x25b: {  	p0 =	slt.u32 s18, $0x7F8;
	[tilespmem:v4+s12+$0x0] =	vst.idx.add.s32.msk $0xffff, v2;
	_ =	sdelay $0x1  }
0x25c: {  	v4 =	vld [tilespmem:s17+$0xFFFFFFD0]  }
0x25d: {  	v7 =	vld.idx.msk [tilespmem:v5+s12+$0x0], $0xffff;
	_ =	sdelay $0x3  }
0x25e: {  	v8 =	vshrl.u32 v4, $0x18  }
0x25f: {  	(xrf1) =	vunique.msk.u32 $0xffff, v8;
	_, v9, _ =	vpop (xrf1)  }
0x260: {  	v7 =	vadd.s32 v7, v9  }
0x261: {  	v7 =	vadd.s32 $0xFFFFFFFF, v7;
	_ =	sdelay $0x4  }
0x262: {  	[tilespmem:v7+s13+$0x0] =	vst.idx.msk $0xffff, v6  }
0x263: {  	[tilespmem:v5+s12+$0x0] =	vst.idx.add.s32.msk $0xffff, v2  }
0x264: {  	v5 =	vld [tilespmem:s17+$0xFFFFFFE0]  }
0x265: {  	v6 =	vld.idx.msk [tilespmem:v8+s12+$0x0], $0xffff;
	_ =	sdelay $0x3  }
0x266: {  	v7 =	vshrl.u32 v5, $0x18;
	_, v9, _ =	vpop (xrf1)  }
0x267: {  	(xrf1) =	vunique.msk.u32 $0xffff, v7  }
0x268: {  	v6 =	vadd.s32 v6, v9  }
0x269: {  	v6 =	vadd.s32 $0xFFFFFFFF, v6;
	_ =	sdelay $0x2  }
0x26a: {  	v4 =	vand.u32 $0x7FFF, v4;
	_ =	sdelay $0x1  }
0x26b: {  	[tilespmem:v6+s13+$0x0] =	vst.idx.msk $0xffff, v4  }
0x26c: {  	[tilespmem:v8+s12+$0x0] =	vst.idx.add.s32.msk $0xffff, v2  }
0x26d: {  	v8 =	vld [tilespmem:s17+$0xFFFFFFF0]  }
0x26e: {  	v6 =	vld.idx.msk [tilespmem:v7+s12+$0x0], $0xffff;
	_ =	sdelay $0x3  }
0x26f: {  	v4 =	vshrl.u32 v8, $0x18;
	_, v9, _ =	vpop (xrf1)  }
0x270: {  	(xrf1) =	vunique.msk.u32 $0xffff, v4  }
0x271: {  	v6 =	vadd.s32 v6, v9  }
0x272: {  	v6 =	vadd.s32 $0xFFFFFFFF, v6;
	_ =	sdelay $0x3  }
0x273: {  	v5 =	vand.u32 $0x7FFF, v5  }
0x274: {  	[tilespmem:v6+s13+$0x0] =	vst.idx.msk $0xffff, v5  }
0x275: {  	[tilespmem:v7+s12+$0x0] =	vst.idx.add.s32.msk $0xffff, v2  }
0x276: {  	v6 =	vld.idx.msk [tilespmem:v4+s12+$0x0], $0xffff  }
0x277: {  	v7 =	vld [tilespmem:s17+$0x0];
	_ =	sdelay $0x3  }
0x278: {  	_, v9, _ =	vpop (xrf1)  }
.Ltmp16:
0x279: {  	v5 =	vshrl.u32 v7, $0x18;
	v9 =	vadd.s32 v6, v9;
	v6 =	vand.u32 $0x7FFF, v7;
	(pc) =	sbr.rel @p0 .LBB2_31-.Ltmp16, $2  }
0x27a: {  	v7 =	vadd.s32 $0xFFFFFFFF, v9;
	(xrf1) =	vunique.msk.u32 $0xffff, v5;
	_ =	sdelay $0x2  }
0x27b: {  	v8 =	vand.u32 $0x7FFF, v8  }
0x27c: {  	_ =	sdelay $0x3  }
0x27d: {  	[tilespmem:v7+s13+$0x0] =	vst.idx.msk $0xffff, v8  }
0x27e: {  	[tilespmem:v4+s12+$0x0] =	vst.idx.add.s32.msk $0xffff, v2  }
0x27f: {  	v4 =	vld [tilespmem:$0x7FD0];
	_ =	sdelay $0x1  }
0x280: {  	v7 =	vld.idx.msk [tilespmem:v5+s12+$0x0], $0xffff;
	_ =	sdelay $0x2  }
0x281: {  	v58 =	vshrl.u32 v4, $0x18  }
0x282: {  	(xrf1) =	vunique.msk.u32 $0xffff, v58;
	_, v9, _ =	vpop (xrf1)  }
0x283: {  	v7 =	vadd.s32 v7, v9  }
0x284: {  	v7 =	vadd.s32 $0xFFFFFFFF, v7;
	_ =	sdelay $0x4  }
0x285: {  	[tilespmem:v7+s13+$0x0] =	vst.idx.msk $0xffff, v6  }
0x286: {  	[tilespmem:v5+s12+$0x0] =	vst.idx.add.s32.msk $0xffff, v2  }
0x287: {  	v5 =	vld [tilespmem:$0x7FE0]  }
0x288: {  	v6 =	vld.idx.msk [tilespmem:v58+s12+$0x0], $0xffff;
	_ =	sdelay $0x3  }
0x289: {  	_, v59, _ =	vpop (xrf1)  }
0x28a: {  	v60 =	vshrl.u32 v5, $0x18;
	v6 =	vadd.s32 v6, v59  }
0x28b: {  	(xrf1) =	vunique.msk.u32 $0xffff, v60;
	v6 =	vadd.s32 $0xFFFFFFFF, v6;
	_ =	sdelay $0x3  }
0x28c: {  	v4 =	vand.u32 $0x7FFF, v4  }
0x28d: {  	[tilespmem:v6+s13+$0x0] =	vst.idx.msk $0xffff, v4  }
0x28e: {  	[tilespmem:v58+s12+$0x0] =	vst.idx.add.s32.msk $0xffff, v2  }
0x28f: {  	v4 =	vld [tilespmem:$0x7FF0];
	_ =	sdelay $0x2  }
0x290: {  	v6 =	vld.idx.msk [tilespmem:v60+s12+$0x0], $0xffff;
	_ =	sdelay $0x1  }
0x291: {  	v61 =	vshrl.u32 v4, $0x18  }
0x292: {  	(xrf1) =	vunique.msk.u32 $0xffff, v61  }
0x293: {  	_, v62, _ =	vpop (xrf1)  }
0x294: {  	v6 =	vadd.s32 v6, v62  }
0x295: {  	v6 =	vadd.s32 $0xFFFFFFFF, v6;
	_ =	sdelay $0x3  }
0x296: {  	v5 =	vand.u32 $0x7FFF, v5  }
0x297: {  	[tilespmem:v6+s13+$0x0] =	vst.idx.msk $0xffff, v5  }
0x298: {  	[tilespmem:v60+s12+$0x0] =	vst.idx.add.s32.msk $0xffff, v2  }
0x299: {  	v5 =	vld.idx.msk [tilespmem:v61+s12+$0x0], $0xffff;
	_ =	sdelay $0x3  }
0x29a: {  	_, v63, _ =	vpop (xrf1)  }
0x29b: {  	v5 =	vadd.s32 v5, v63  }
0x29c: {  	v5 =	vadd.s32 $0xFFFFFFFF, v5;
	_ =	sdelay $0x3  }
0x29d: {  	v4 =	vand.u32 $0x7FFF, v4  }
0x29e: {  	s15 =	sadd.s32 $0x1, s15;
	[tilespmem:v5+s13+$0x0] =	vst.idx.msk $0xffff, v4  }
0x29f: {  	s16 =	sadd.s32 s2, s16;
	p0 =	sne.s32 s15, $0x4;
	[tilespmem:v61+s12+$0x0] =	vst.idx.add.s32.msk $0xffff, v2  }
0x2a0: {  	[hbm4b:s16+s7] =	stream.strided.scatter [tilespmem:s13], [sflag:$0x1], $0x8000, s8, s7, $0x38;
	[tilespmem:$0x18300] =	vst v63  }
.Ltmp17:
0x2a1: {  	_ = 	snop;
	(pc) =	sbr.rel @p0 .LBB2_2-.Ltmp17, $4  }
.Ltmp18:
0x2a2: {  	_ = 	snop;
	(pc) =	sbr.rel @!p0 .LBB2_33-.Ltmp18, $4  }
0x2a3: {  	_ =	swait.ge [sflag:s9], $0x8000  }
0x2a4: {  	[sflag:s9] =	ssyncset.done $0x0  }
0x2a5: {  	[sflag:s9] =	ssyncadd.s32 $0xFFFF8000  }
0x2a6: {  	_ = 	snop  }
.LBB2_9:
.Ltmp19:
0x2a7: {  	(pc) =	sbr.rel .LBB2_16-.Ltmp19, $2  }
0x2a8: {  	_ =	sdelay $0x2  }
0x2a9: {  	p2 =	por $0x0, $0x0  }
.LBB2_17:
.Ltmp20:
0x2aa: {  	(pc) =	sbr.rel .LBB2_24-.Ltmp20, $2  }
0x2ab: {  	_ =	sdelay $0x2  }
0x2ac: {  	p1 =	por $0x0, $0x0  }
.LBB2_11:
.Ltmp21:
0x2ad: {  	_ = 	snop;
	(pc) =	sbr.rel .LBB2_16-.Ltmp21, $3  }
0x2ae: {  	_ =	sdelay $0x1  }
0x2af: {  	v32 =	vmovc v14;
	v4 =	vmov v15;
	v5 =	vmov v12;
	v6 =	vmov v21  }
0x2b0: {  	s19 =	simm.s32 $0x10040;
	s18 =	simm.s32 $0x100C0;
	v14 =	vmovc v13;
	v7 =	vmovc v20;
	v8 =	vmov v19;
	p2 =	por $0x0, $0x0;
	v9 =	vmov v31;
	v10 =	vmov v34  }
.LBB2_19:
.Ltmp22:
0x2b1: {  	_ = 	snop;
	(pc) =	sbr.rel .LBB2_24-.Ltmp22, $3  }
0x2b2: {  	_ =	sdelay $0x1  }
0x2b3: {  	v32 =	vmovc v14;
	v4 =	vmov v15;
	v5 =	vmov v12;
	v6 =	vmov v21  }
0x2b4: {  	s18 =	simm.s32 $0x18040;
	s19 =	simm.s32 $0x180C0;
	v14 =	vmovc v13;
	v7 =	vmovc v20;
	v8 =	vmov v19;
	v9 =	vmov v31;
	v10 =	vmov v34  }
.LBB2_13:
.Ltmp23:
0x2b5: {  	(pc) =	sbr.rel .LBB2_16-.Ltmp23, $4  }
0x2b6: {  	_ = 	snop  }
0x2b7: {  	v33 =	vmov v11  }
0x2b8: {  	v11 =	vmovc v14;
	v32 =	vmovc v13;
	v24 =	vmov v17;
	v14 =	vmov v26;
	v16 =	vmov v25  }
0x2b9: {  	s22 =	simm.s32 $0x10040;
	s18 =	simm.s32 $0x10140;
	v18 =	vmovc v23;
	v29 =	vmovc v22;
	v30 =	vmov v20;
	v27 =	vmov v21;
	v28 =	vmov v19  }
.LBB2_21:
.Ltmp24:
0x2ba: {  	(pc) =	sbr.rel .LBB2_24-.Ltmp24, $4  }
0x2bb: {  	_ = 	snop  }
0x2bc: {  	v33 =	vmov v11  }
0x2bd: {  	v11 =	vmovc v14;
	v32 =	vmovc v13;
	v24 =	vmov v17;
	v14 =	vmov v26;
	v16 =	vmov v25  }
0x2be: {  	s22 =	simm.s32 $0x18040;
	s19 =	simm.s32 $0x18140;
	v18 =	vmovc v23;
	v29 =	vmovc v22;
	v30 =	vmov v20;
	v27 =	vmov v21;
	v28 =	vmov v19  }
.LBB2_34:
0x2bf: {  	_ =	sfence.sel $0x180000  }
0x2c0: {  	[bflag:$0x0] =	sbarrier.arrive $0xFFFF  }
0x2c1: {  	p0 =	sne.s32 s3, $0x0;
	_ =	strace $0x90000047  }
0x2c2: {  	s0 =	sadd.s32 @!p0 $0x100000, s0;
	[bflag:$0x2] =	sbarrier.arrive $0xFFFF  }
0x2c3: {  	[sflag:s0] =	ssyncadd.tile.s32 @!p0 $0x1;
	_ =	shalt  }
.Lfunc_end2:
_tile_overlayer_lowered:
.L_overlay_start_2:
0x2c4: {  	(tag) =	ssettag $0x2  }
0x2c5: {  	s0 =	rddreg [dreg:$0x0];
	s2 =	stileid.u32  }
0x2c6: {  	s1 =	rddreg [dreg:$0x1];
	p0 =	sne.s32 s2, $0x0  }
0x2c7: {  	s3 =	rddreg [dreg:$0x2];
	[bflag:$0x3] =	sbarrier.arrive $0xFFFF;
	s2 =	simm.s32 @!p0 $0x1C01  }
0x2c8: {  	[timem:s3], [sflag:s2] =	dma.local @!p0 [hbm:s0], s1  }
0x2c9: {  	s0 =	simm.s32 @!p0 $0x1  }
0x2ca: {  	_ =	swait.ge @!p0 [sflag:s0], s1  }
0x2cb: {  	s1 =	ssub.s32 @!p0 $0x0, s1;
	[sflag:s0] =	ssyncset.done @!p0 $0x0  }
0x2cc: {  	[sflag:s0] =	ssyncadd.s32 @!p0 s1  }
0x2cd: {  	[bflag:$0x3] =	sbarrier.arrive $0xFFFF  }
0x2ce: {  	_ =	shalt  }

</sc_bundles>
